<compile_context>
chip_gen: v7x
topology: tpu7x:2x2x1
jax: 0.10.2.dev20260603
libtpu: 0.0.44.dev20260713+nightly
codegen_flags: <defaults>
</compile_context>

<pallas_src>
import functools

import jax
import jax.numpy as jnp
from jax import lax
from jax.experimental import pallas as pl
from jax.experimental.pallas import tpu as pltpu
from jax.experimental.pallas import tpu_sc as plsc

VOCAB = 150528
D = 1024
B = 4
S = 2048
MASK_TOKEN = 150001
BOS_TOKEN = 150004

N_IDS = B * S
NC, NS = 2, 16
NW = NC * NS
IDS_PER_W = N_IDS // NW
CHUNK = 32
N_CHUNKS = IDS_PER_W // CHUNK


def _sc_gather(weight, ids_flat):
    mesh = plsc.VectorSubcoreMesh(core_axis_name="c", subcore_axis_name="s")

    @functools.partial(
        pl.kernel,
        out_type=jax.ShapeDtypeStruct((S, B, D), jnp.float32),
        mesh=mesh,
        scratch_types=[
            pltpu.VMEM((IDS_PER_W,), jnp.int32),
            pltpu.VMEM((CHUNK, D), jnp.float32),
            pltpu.VMEM((CHUNK, D), jnp.float32),
            pltpu.SemaphoreType.DMA,
            pltpu.SemaphoreType.DMA,
            pltpu.SemaphoreType.DMA,
            pltpu.SemaphoreType.DMA,
        ],
    )
    def gather_kernel(w_hbm, i_hbm, o_full, idx_v, rows0, rows1, g0, g1, w0, w1):
        o_hbm = o_full.reshape(N_IDS, D)
        bufs, gsems, wsems = (rows0, rows1), (g0, g1), (w0, w1)
        wid = lax.axis_index("s") * NC + lax.axis_index("c")
        base = wid * IDS_PER_W
        pltpu.sync_copy(i_hbm.at[pl.ds(base, IDS_PER_W)], idx_v)

        def gather_copy(c):
            return pltpu.make_async_copy(
                w_hbm.at[idx_v.at[pl.ds(c * CHUNK, CHUNK)]],
                bufs[c % 2],
                gsems[c % 2],
            )

        def write_copy(c):
            return pltpu.make_async_copy(
                bufs[c % 2],
                o_hbm.at[pl.ds(base + c * CHUNK, CHUNK)],
                wsems[c % 2],
            )

        gather_copy(0).start()
        for c in range(N_CHUNKS):
            gather_copy(c).wait()
            if c + 1 < N_CHUNKS:
                if c >= 1:
                    write_copy(c - 1).wait()
                gather_copy(c + 1).start()
            write_copy(c).start()
        write_copy(N_CHUNKS - 2).wait()
        write_copy(N_CHUNKS - 1).wait()

    return gather_kernel(weight, ids_flat)


MASK_TILE = 256


def _mask_pos_kernel(ids_ref, mask_ref, pos_ref):
    t = pl.program_id(1)
    ids = ids_ref[0]
    j2 = lax.broadcasted_iota(jnp.int32, (1, S), 1)
    ctx = jnp.min(jnp.where(ids == BOS_TOKEN, j2, S))
    mpos = jnp.min(jnp.where(ids == MASK_TOKEN, j2, S))

    icol = lax.broadcasted_iota(jnp.int32, (MASK_TILE, 1), 0) + (t * MASK_TILE + 1)
    thr = jnp.maximum(icol, ctx)
    j = lax.broadcasted_iota(jnp.int32, (MASK_TILE, S), 1)
    mask_ref[0, 0, :, :] = j >= thr

    @pl.when(t == 0)
    def _():
        pos_ref[:, 0, :] = jnp.where(j2 >= ctx, mpos, j2)
        pos_ref[:, 1, :] = jnp.where(j2 < ctx, 0, j2 - ctx + 1)


def _tc_mask_pos(input_ids):
    return pl.pallas_call(
        _mask_pos_kernel,
        grid=(B, S // MASK_TILE),
        in_specs=[pl.BlockSpec((1, 1, S), lambda b, t: (b, 0, 0))],
        out_specs=[
            pl.BlockSpec((1, 1, MASK_TILE, S), lambda b, t: (b, 0, t, 0)),
            pl.BlockSpec((1, 2, S), lambda b, t: (b, 0, 0)),
        ],
        out_shape=[
            jax.ShapeDtypeStruct((B, 1, S, S), jnp.bool_),
            jax.ShapeDtypeStruct((B, 2, S), jnp.int32),
        ],
    )(input_ids.reshape(B, 1, S))


def kernel(input_ids, labels, weight):
    ids_flat = input_ids.T.reshape(N_IDS)
    hidden = _sc_gather(weight, ids_flat)
    attention_mask, position_ids = _tc_mask_pos(input_ids)
    return hidden, position_ids, attention_mask, labels

# --- scband reference (transcript-rebuilt; emitter-appended) ---
"""Pipeline reference for scband-embedding-pipe-layer-32452772889198 (READ-ONLY COPY).

The authoritative reference and input builder live on the scoring server;
editing this copy changes nothing except your own understanding.
"""

import jax, jax.numpy as jnp
import numpy as np

VOCAB = 150528
D = 1024
B = 4
S = 2048
MASK_TOKEN = 150001
BOS_TOKEN = 150004


def setup_inputs(seed: int = 0) -> dict:
    key = jax.random.key(seed)
    k1, k2, k3 = jax.random.split(key, 3)
    # random ids strictly below 150000 so the planted sentinels are the ONLY occurrences
    input_ids = jax.random.randint(k1, (B, S), 0, 150000, dtype=jnp.int32)
    # plant MASK (150001) followed by gMASK/BOS (150004) per row, mimicking ChatGLM prompts
    ctx = jnp.array([512, 700, 900, 1100], dtype=jnp.int32)
    rows = jnp.arange(B)
    input_ids = input_ids.at[rows, ctx - 1].set(MASK_TOKEN)
    input_ids = input_ids.at[rows, ctx].set(BOS_TOKEN)
    labels = jax.random.randint(k2, (B, S), 0, VOCAB, dtype=jnp.int32)
    weight = jax.random.normal(k3, (VOCAB, D), dtype=jnp.float32) * 0.02
    return {"input_ids": input_ids, "labels": labels, "weight": weight}


def reference(input_ids, labels, weight):
    Bsz, Slen = input_ids.shape
    # embedding lookup (word_embeddings)
    hidden_states = jnp.take(weight, input_ids, axis=0)  # [B, S, D]
    # context_lengths = first index of BOS token 150004 per row
    ctx = jnp.argmax((input_ids == BOS_TOKEN).astype(jnp.int32), axis=1)  # [B]
    # mask_positions = first index of MASK token 150001 per row
    mask_pos = jnp.argmax((input_ids == MASK_TOKEN).astype(jnp.int32), axis=1)  # [B]
    ar = jnp.arange(Slen)
    # get_masks: ones tril, then columns < context_length forced to 1, then invert (<0.5)
    tril = ar[None, :] <= ar[:, None]  # [S, S] lower-triangular True
    attn = tril[None, :, :] | (ar[None, None, :] < ctx[:, None, None])  # [B, S, S]
    attention_mask = (~attn)[:, None, :, :]  # [B, 1, S, S] bool
    # get_position_ids
    position_ids = jnp.where(ar[None, :] >= ctx[:, None], mask_pos[:, None], ar[None, :])  # [B, S]
    block_position_ids = jnp.where(ar[None, :] < ctx[:, None], 0, ar[None, :] - ctx[:, None] + 1)  # [B, S]
    position_ids = jnp.stack([position_ids, block_position_ids], axis=1)  # [B, 2, S]
    # transpose(0, 1) -> sequence-major
    hidden_states = jnp.transpose(hidden_states, (1, 0, 2))  # [S, B, D]
    return hidden_states, position_ids, attention_mask, labels

if __name__ == "__main__":
    import jax
    _d = setup_inputs()
    print(jax.jit(kernel)(*tuple(_d.values())))

</pallas_src>

<mosaic_0001>
#map = affine_map<(d0, d1) -> (0, 0)>
#map1 = affine_map<(d0, d1) -> (0)>
#map2 = affine_map<(d0, d1) -> (0, 0, 0)>
module attributes {stable_mosaic.version = 14 : i64} {
  func.func @gather_kernel(%arg0: i32, %arg1: i32, %arg2: memref<150528x1024xf32, #tpu.memory_space<hbm>>, %arg3: memref<8192xi32, #tpu.memory_space<hbm>>, %arg4: memref<2048x4x1024xf32, #tpu.memory_space<hbm>>, %arg5: memref<256xi32, #tpu.memory_space<vmem>>, %arg6: memref<32x1024xf32, #tpu.memory_space<vmem>>, %arg7: memref<32x1024xf32, #tpu.memory_space<vmem>>, %arg8: memref<!tpu.dma_semaphore, #tpu.memory_space<semaphore_mem>>, %arg9: memref<!tpu.dma_semaphore, #tpu.memory_space<semaphore_mem>>, %arg10: memref<!tpu.dma_semaphore, #tpu.memory_space<semaphore_mem>>, %arg11: memref<!tpu.dma_semaphore, #tpu.memory_space<semaphore_mem>>) attributes {dimension_semantics = [#tpu.dimension_semantics<core_parallel>, #tpu.dimension_semantics<subcore_parallel>], iteration_bounds = array<i64: 2, 16>, scalar_prefetch = 0 : i64, scratch_operands = 7 : i64, tpu.core_type = #tpu.core_type<sc_vector_subcore>, window_params = [{transform_indices = #map}, {transform_indices = #map1}, {transform_indices = #map2}]} {
    %mul3A = arith.constant 2 : i32
    %mul3A_0 = arith.muli %arg1, %mul3A : i32
    %add3A = arith.addi %mul3A_0, %arg0 : i32
    %mul3A_1 = arith.constant 256 : i32
    %mul3A_2 = arith.muli %add3A, %mul3A_1 : i32
    "tpu.region"() ({
      %run_scoped3A = tpu.sem_alloc : memref<!tpu.dma_semaphore, #tpu.memory_space<semaphore_mem>>
      %dma_start3A_209 = tpu.memref_slice %arg3[%mul3A_2] : memref<8192xi32, #tpu.memory_space<hbm>> -> memref<256xi32, #tpu.memory_space<hbm>>
      %dma_start3A_210 = tpu.memref_slice %arg3[%mul3A_2] : memref<8192xi32, #tpu.memory_space<hbm>> -> memref<256xi32, #tpu.memory_space<hbm>>
      tpu.enqueue_dma source(%dma_start3A_210 : memref<256xi32, #tpu.memory_space<hbm>>) target(%arg5 : memref<256xi32, #tpu.memory_space<vmem>>) target_semaphore(%run_scoped3A : memref<!tpu.dma_semaphore, #tpu.memory_space<semaphore_mem>>)
      %dma_wait3A_211 = tpu.memref_slice %arg3[%mul3A_2] : memref<8192xi32, #tpu.memory_space<hbm>> -> memref<256xi32, #tpu.memory_space<hbm>>
      %dma_wait3A_212 = tpu.memref_slice %arg3[%mul3A_2] : memref<8192xi32, #tpu.memory_space<hbm>> -> memref<256xi32, #tpu.memory_space<hbm>>
      tpu.wait_dma2 semaphore(%run_scoped3A : memref<!tpu.dma_semaphore, #tpu.memory_space<semaphore_mem>>) src(%dma_wait3A_212 : memref<256xi32, #tpu.memory_space<hbm>>) dst(%arg5 : memref<256xi32, #tpu.memory_space<vmem>>)
      tpu.yield
    }) : () -> ()
    %dma_start3A = arith.constant 0 : i32
    %dma_start3A_3 = tpu.memref_slice %arg5[%dma_start3A] : memref<256xi32, #tpu.memory_space<vmem>> -> memref<32xi32, #tpu.memory_space<vmem>>
    %dma_start3A_4 = arith.constant 0 : i32
    %dma_start3A_5 = arith.constant 0 : i32
    %dma_start3A_6 = tpu.memref_slice %arg2[%dma_start3A_4, %dma_start3A_5] : memref<150528x1024xf32, #tpu.memory_space<hbm>> -> memref<150528x1024xf32, #tpu.memory_space<hbm>>
    tpu.enqueue_indirect_dma source(%dma_start3A_6 : memref<150528x1024xf32, #tpu.memory_space<hbm>>) target(%arg6 : memref<32x1024xf32, #tpu.memory_space<vmem>>) offsets(%dma_start3A_3 : memref<32xi32, #tpu.memory_space<vmem>>) semaphore(%arg8 : memref<!tpu.dma_semaphore, #tpu.memory_space<semaphore_mem>>)
    %dma_wait3A = arith.constant 0 : i32
    %dma_wait3A_7 = tpu.memref_slice %arg5[%dma_wait3A] : memref<256xi32, #tpu.memory_space<vmem>> -> memref<32xi32, #tpu.memory_space<vmem>>
    %dma_wait3A_8 = arith.constant 0 : i32
    %dma_wait3A_9 = arith.constant 0 : i32
    %dma_wait3A_10 = tpu.memref_slice %arg2[%dma_wait3A_8, %dma_wait3A_9] : memref<150528x1024xf32, #tpu.memory_space<hbm>> -> memref<150528x1024xf32, #tpu.memory_space<hbm>>
    tpu.wait_indirect_dma semaphore(%arg8 : memref<!tpu.dma_semaphore, #tpu.memory_space<semaphore_mem>>) src(%dma_wait3A_10 : memref<150528x1024xf32, #tpu.memory_space<hbm>>) dst(%arg6 : memref<32x1024xf32, #tpu.memory_space<vmem>>)
    %dma_start3A_11 = arith.constant 32 : i32
    %dma_start3A_12 = tpu.memref_slice %arg5[%dma_start3A_11] : memref<256xi32, #tpu.memory_space<vmem>> -> memref<32xi32, #tpu.memory_space<vmem>>
    %dma_start3A_13 = arith.constant 0 : i32
    %dma_start3A_14 = arith.constant 0 : i32
    %dma_start3A_15 = tpu.memref_slice %arg2[%dma_start3A_13, %dma_start3A_14] : memref<150528x1024xf32, #tpu.memory_space<hbm>> -> memref<150528x1024xf32, #tpu.memory_space<hbm>>
    tpu.enqueue_indirect_dma source(%dma_start3A_15 : memref<150528x1024xf32, #tpu.memory_space<hbm>>) target(%arg7 : memref<32x1024xf32, #tpu.memory_space<vmem>>) offsets(%dma_start3A_12 : memref<32xi32, #tpu.memory_space<vmem>>) semaphore(%arg9 : memref<!tpu.dma_semaphore, #tpu.memory_space<semaphore_mem>>)
    %add3A_16 = arith.constant 0 : i32
    %add3A_17 = arith.addi %mul3A_2, %add3A_16 : i32
    %dma_start3A_18 = tpu.memref_reshape %arg4 : memref<2048x4x1024xf32, #tpu.memory_space<hbm>> -> memref<8192x1024xf32, #tpu.memory_space<hbm>>
    %dma_start3A_19 = arith.constant 0 : i32
    %dma_start3A_20 = tpu.memref_slice %dma_start3A_18[%add3A_17, %dma_start3A_19] : memref<8192x1024xf32, #tpu.memory_space<hbm>> -> memref<32x1024xf32, #tpu.memory_space<hbm>>
    %dma_start3A_21 = tpu.memref_reshape %arg4 : memref<2048x4x1024xf32, #tpu.memory_space<hbm>> -> memref<8192x1024xf32, #tpu.memory_space<hbm>>
    %dma_start3A_22 = arith.constant 0 : i32
    %dma_start3A_23 = tpu.memref_slice %dma_start3A_21[%add3A_17, %dma_start3A_22] : memref<8192x1024xf32, #tpu.memory_space<hbm>> -> memref<32x1024xf32, #tpu.memory_space<hbm>>
    tpu.enqueue_dma source(%arg6 : memref<32x1024xf32, #tpu.memory_space<vmem>>) target(%dma_start3A_23 : memref<32x1024xf32, #tpu.memory_space<hbm>>) target_semaphore(%arg10 : memref<!tpu.dma_semaphore, #tpu.memory_space<semaphore_mem>>)
    %dma_wait3A_24 = arith.constant 32 : i32
    %dma_wait3A_25 = tpu.memref_slice %arg5[%dma_wait3A_24] : memref<256xi32, #tpu.memory_space<vmem>> -> memref<32xi32, #tpu.memory_space<vmem>>
    %dma_wait3A_26 = arith.constant 0 : i32
    %dma_wait3A_27 = arith.constant 0 : i32
    %dma_wait3A_28 = tpu.memref_slice %arg2[%dma_wait3A_26, %dma_wait3A_27] : memref<150528x1024xf32, #tpu.memory_space<hbm>> -> memref<150528x1024xf32, #tpu.memory_space<hbm>>
    tpu.wait_indirect_dma semaphore(%arg9 : memref<!tpu.dma_semaphore, #tpu.memory_space<semaphore_mem>>) src(%dma_wait3A_28 : memref<150528x1024xf32, #tpu.memory_space<hbm>>) dst(%arg7 : memref<32x1024xf32, #tpu.memory_space<vmem>>)
    %add3A_29 = arith.constant 0 : i32
    %add3A_30 = arith.addi %mul3A_2, %add3A_29 : i32
    %dma_wait3A_31 = tpu.memref_reshape %arg4 : memref<2048x4x1024xf32, #tpu.memory_space<hbm>> -> memref<8192x1024xf32, #tpu.memory_space<hbm>>
    %dma_wait3A_32 = arith.constant 0 : i32
    %dma_wait3A_33 = tpu.memref_slice %dma_wait3A_31[%add3A_30, %dma_wait3A_32] : memref<8192x1024xf32, #tpu.memory_space<hbm>> -> memref<32x1024xf32, #tpu.memory_space<hbm>>
    %dma_wait3A_34 = tpu.memref_reshape %arg4 : memref<2048x4x1024xf32, #tpu.memory_space<hbm>> -> memref<8192x1024xf32, #tpu.memory_space<hbm>>
    %dma_wait3A_35 = arith.constant 0 : i32
    %dma_wait3A_36 = tpu.memref_slice %dma_wait3A_34[%add3A_30, %dma_wait3A_35] : memref<8192x1024xf32, #tpu.memory_space<hbm>> -> memref<32x1024xf32, #tpu.memory_space<hbm>>
    tpu.wait_dma2 semaphore(%arg10 : memref<!tpu.dma_semaphore, #tpu.memory_space<semaphore_mem>>) src(%arg6 : memref<32x1024xf32, #tpu.memory_space<vmem>>) dst(%dma_wait3A_36 : memref<32x1024xf32, #tpu.memory_space<hbm>>)
    %dma_start3A_37 = arith.constant 64 : i32
    %dma_start3A_38 = tpu.memref_slice %arg5[%dma_start3A_37] : memref<256xi32, #tpu.memory_space<vmem>> -> memref<32xi32, #tpu.memory_space<vmem>>
    %dma_start3A_39 = arith.constant 0 : i32
    %dma_start3A_40 = arith.constant 0 : i32
    %dma_start3A_41 = tpu.memref_slice %arg2[%dma_start3A_39, %dma_start3A_40] : memref<150528x1024xf32, #tpu.memory_space<hbm>> -> memref<150528x1024xf32, #tpu.memory_space<hbm>>
    tpu.enqueue_indirect_dma source(%dma_start3A_41 : memref<150528x1024xf32, #tpu.memory_space<hbm>>) target(%arg6 : memref<32x1024xf32, #tpu.memory_space<vmem>>) offsets(%dma_start3A_38 : memref<32xi32, #tpu.memory_space<vmem>>) semaphore(%arg8 : memref<!tpu.dma_semaphore, #tpu.memory_space<semaphore_mem>>)
    %add3A_42 = arith.constant 32 : i32
    %add3A_43 = arith.addi %mul3A_2, %add3A_42 : i32
    %dma_start3A_44 = tpu.memref_reshape %arg4 : memref<2048x4x1024xf32, #tpu.memory_space<hbm>> -> memref<8192x1024xf32, #tpu.memory_space<hbm>>
    %dma_start3A_45 = arith.constant 0 : i32
    %dma_start3A_46 = tpu.memref_slice %dma_start3A_44[%add3A_43, %dma_start3A_45] : memref<8192x1024xf32, #tpu.memory_space<hbm>> -> memref<32x1024xf32, #tpu.memory_space<hbm>>
    %dma_start3A_47 = tpu.memref_reshape %arg4 : memref<2048x4x1024xf32, #tpu.memory_space<hbm>> -> memref<8192x1024xf32, #tpu.memory_space<hbm>>
    %dma_start3A_48 = arith.constant 0 : i32
    %dma_start3A_49 = tpu.memref_slice %dma_start3A_47[%add3A_43, %dma_start3A_48] : memref<8192x1024xf32, #tpu.memory_space<hbm>> -> memref<32x1024xf32, #tpu.memory_space<hbm>>
    tpu.enqueue_dma source(%arg7 : memref<32x1024xf32, #tpu.memory_space<vmem>>) target(%dma_start3A_49 : memref<32x1024xf32, #tpu.memory_space<hbm>>) target_semaphore(%arg11 : memref<!tpu.dma_semaphore, #tpu.memory_space<semaphore_mem>>)
    %dma_wait3A_50 = arith.constant 64 : i32
    %dma_wait3A_51 = tpu.memref_slice %arg5[%dma_wait3A_50] : memref<256xi32, #tpu.memory_space<vmem>> -> memref<32xi32, #tpu.memory_space<vmem>>
    %dma_wait3A_52 = arith.constant 0 : i32
    %dma_wait3A_53 = arith.constant 0 : i32
    %dma_wait3A_54 = tpu.memref_slice %arg2[%dma_wait3A_52, %dma_wait3A_53] : memref<150528x1024xf32, #tpu.memory_space<hbm>> -> memref<150528x1024xf32, #tpu.memory_space<hbm>>
    tpu.wait_indirect_dma semaphore(%arg8 : memref<!tpu.dma_semaphore, #tpu.memory_space<semaphore_mem>>) src(%dma_wait3A_54 : memref<150528x1024xf32, #tpu.memory_space<hbm>>) dst(%arg6 : memref<32x1024xf32, #tpu.memory_space<vmem>>)
    %add3A_55 = arith.constant 32 : i32
    %add3A_56 = arith.addi %mul3A_2, %add3A_55 : i32
    %dma_wait3A_57 = tpu.memref_reshape %arg4 : memref<2048x4x1024xf32, #tpu.memory_space<hbm>> -> memref<8192x1024xf32, #tpu.memory_space<hbm>>
    %dma_wait3A_58 = arith.constant 0 : i32
    %dma_wait3A_59 = tpu.memref_slice %dma_wait3A_57[%add3A_56, %dma_wait3A_58] : memref<8192x1024xf32, #tpu.memory_space<hbm>> -> memref<32x1024xf32, #tpu.memory_space<hbm>>
    %dma_wait3A_60 = tpu.memref_reshape %arg4 : memref<2048x4x1024xf32, #tpu.memory_space<hbm>> -> memref<8192x1024xf32, #tpu.memory_space<hbm>>
    %dma_wait3A_61 = arith.constant 0 : i32
    %dma_wait3A_62 = tpu.memref_slice %dma_wait3A_60[%add3A_56, %dma_wait3A_61] : memref<8192x1024xf32, #tpu.memory_space<hbm>> -> memref<32x1024xf32, #tpu.memory_space<hbm>>
    tpu.wait_dma2 semaphore(%arg11 : memref<!tpu.dma_semaphore, #tpu.memory_space<semaphore_mem>>) src(%arg7 : memref<32x1024xf32, #tpu.memory_space<vmem>>) dst(%dma_wait3A_62 : memref<32x1024xf32, #tpu.memory_space<hbm>>)
    %dma_start3A_63 = arith.constant 96 : i32
    %dma_start3A_64 = tpu.memref_slice %arg5[%dma_start3A_63] : memref<256xi32, #tpu.memory_space<vmem>> -> memref<32xi32, #tpu.memory_space<vmem>>
    %dma_start3A_65 = arith.constant 0 : i32
    %dma_start3A_66 = arith.constant 0 : i32
    %dma_start3A_67 = tpu.memref_slice %arg2[%dma_start3A_65, %dma_start3A_66] : memref<150528x1024xf32, #tpu.memory_space<hbm>> -> memref<150528x1024xf32, #tpu.memory_space<hbm>>
    tpu.enqueue_indirect_dma source(%dma_start3A_67 : memref<150528x1024xf32, #tpu.memory_space<hbm>>) target(%arg7 : memref<32x1024xf32, #tpu.memory_space<vmem>>) offsets(%dma_start3A_64 : memref<32xi32, #tpu.memory_space<vmem>>) semaphore(%arg9 : memref<!tpu.dma_semaphore, #tpu.memory_space<semaphore_mem>>)
    %add3A_68 = arith.constant 64 : i32
    %add3A_69 = arith.addi %mul3A_2, %add3A_68 : i32
    %dma_start3A_70 = tpu.memref_reshape %arg4 : memref<2048x4x1024xf32, #tpu.memory_space<hbm>> -> memref<8192x1024xf32, #tpu.memory_space<hbm>>
    %dma_start3A_71 = arith.constant 0 : i32
    %dma_start3A_72 = tpu.memref_slice %dma_start3A_70[%add3A_69, %dma_start3A_71] : memref<8192x1024xf32, #tpu.memory_space<hbm>> -> memref<32x1024xf32, #tpu.memory_space<hbm>>
    %dma_start3A_73 = tpu.memref_reshape %arg4 : memref<2048x4x1024xf32, #tpu.memory_space<hbm>> -> memref<8192x1024xf32, #tpu.memory_space<hbm>>
    %dma_start3A_74 = arith.constant 0 : i32
    %dma_start3A_75 = tpu.memref_slice %dma_start3A_73[%add3A_69, %dma_start3A_74] : memref<8192x1024xf32, #tpu.memory_space<hbm>> -> memref<32x1024xf32, #tpu.memory_space<hbm>>
    tpu.enqueue_dma source(%arg6 : memref<32x1024xf32, #tpu.memory_space<vmem>>) target(%dma_start3A_75 : memref<32x1024xf32, #tpu.memory_space<hbm>>) target_semaphore(%arg10 : memref<!tpu.dma_semaphore, #tpu.memory_space<semaphore_mem>>)
    %dma_wait3A_76 = arith.constant 96 : i32
    %dma_wait3A_77 = tpu.memref_slice %arg5[%dma_wait3A_76] : memref<256xi32, #tpu.memory_space<vmem>> -> memref<32xi32, #tpu.memory_space<vmem>>
    %dma_wait3A_78 = arith.constant 0 : i32
    %dma_wait3A_79 = arith.constant 0 : i32
    %dma_wait3A_80 = tpu.memref_slice %arg2[%dma_wait3A_78, %dma_wait3A_79] : memref<150528x1024xf32, #tpu.memory_space<hbm>> -> memref<150528x1024xf32, #tpu.memory_space<hbm>>
    tpu.wait_indirect_dma semaphore(%arg9 : memref<!tpu.dma_semaphore, #tpu.memory_space<semaphore_mem>>) src(%dma_wait3A_80 : memref<150528x1024xf32, #tpu.memory_space<hbm>>) dst(%arg7 : memref<32x1024xf32, #tpu.memory_space<vmem>>)
    %add3A_81 = arith.constant 64 : i32
    %add3A_82 = arith.addi %mul3A_2, %add3A_81 : i32
    %dma_wait3A_83 = tpu.memref_reshape %arg4 : memref<2048x4x1024xf32, #tpu.memory_space<hbm>> -> memref<8192x1024xf32, #tpu.memory_space<hbm>>
    %dma_wait3A_84 = arith.constant 0 : i32
    %dma_wait3A_85 = tpu.memref_slice %dma_wait3A_83[%add3A_82, %dma_wait3A_84] : memref<8192x1024xf32, #tpu.memory_space<hbm>> -> memref<32x1024xf32, #tpu.memory_space<hbm>>
    %dma_wait3A_86 = tpu.memref_reshape %arg4 : memref<2048x4x1024xf32, #tpu.memory_space<hbm>> -> memref<8192x1024xf32, #tpu.memory_space<hbm>>
    %dma_wait3A_87 = arith.constant 0 : i32
    %dma_wait3A_88 = tpu.memref_slice %dma_wait3A_86[%add3A_82, %dma_wait3A_87] : memref<8192x1024xf32, #tpu.memory_space<hbm>> -> memref<32x1024xf32, #tpu.memory_space<hbm>>
    tpu.wait_dma2 semaphore(%arg10 : memref<!tpu.dma_semaphore, #tpu.memory_space<semaphore_mem>>) src(%arg6 : memref<32x1024xf32, #tpu.memory_space<vmem>>) dst(%dma_wait3A_88 : memref<32x1024xf32, #tpu.memory_space<hbm>>)
    %dma_start3A_89 = arith.constant 128 : i32
    %dma_start3A_90 = tpu.memref_slice %arg5[%dma_start3A_89] : memref<256xi32, #tpu.memory_space<vmem>> -> memref<32xi32, #tpu.memory_space<vmem>>
    %dma_start3A_91 = arith.constant 0 : i32
    %dma_start3A_92 = arith.constant 0 : i32
    %dma_start3A_93 = tpu.memref_slice %arg2[%dma_start3A_91, %dma_start3A_92] : memref<150528x1024xf32, #tpu.memory_space<hbm>> -> memref<150528x1024xf32, #tpu.memory_space<hbm>>
    tpu.enqueue_indirect_dma source(%dma_start3A_93 : memref<150528x1024xf32, #tpu.memory_space<hbm>>) target(%arg6 : memref<32x1024xf32, #tpu.memory_space<vmem>>) offsets(%dma_start3A_90 : memref<32xi32, #tpu.memory_space<vmem>>) semaphore(%arg8 : memref<!tpu.dma_semaphore, #tpu.memory_space<semaphore_mem>>)
    %add3A_94 = arith.constant 96 : i32
    %add3A_95 = arith.addi %mul3A_2, %add3A_94 : i32
    %dma_start3A_96 = tpu.memref_reshape %arg4 : memref<2048x4x1024xf32, #tpu.memory_space<hbm>> -> memref<8192x1024xf32, #tpu.memory_space<hbm>>
    %dma_start3A_97 = arith.constant 0 : i32
    %dma_start3A_98 = tpu.memref_slice %dma_start3A_96[%add3A_95, %dma_start3A_97] : memref<8192x1024xf32, #tpu.memory_space<hbm>> -> memref<32x1024xf32, #tpu.memory_space<hbm>>
    %dma_start3A_99 = tpu.memref_reshape %arg4 : memref<2048x4x1024xf32, #tpu.memory_space<hbm>> -> memref<8192x1024xf32, #tpu.memory_space<hbm>>
    %dma_start3A_100 = arith.constant 0 : i32
    %dma_start3A_101 = tpu.memref_slice %dma_start3A_99[%add3A_95, %dma_start3A_100] : memref<8192x1024xf32, #tpu.memory_space<hbm>> -> memref<32x1024xf32, #tpu.memory_space<hbm>>
    tpu.enqueue_dma source(%arg7 : memref<32x1024xf32, #tpu.memory_space<vmem>>) target(%dma_start3A_101 : memref<32x1024xf32, #tpu.memory_space<hbm>>) target_semaphore(%arg11 : memref<!tpu.dma_semaphore, #tpu.memory_space<semaphore_mem>>)
    %dma_wait3A_102 = arith.constant 128 : i32
    %dma_wait3A_103 = tpu.memref_slice %arg5[%dma_wait3A_102] : memref<256xi32, #tpu.memory_space<vmem>> -> memref<32xi32, #tpu.memory_space<vmem>>
    %dma_wait3A_104 = arith.constant 0 : i32
    %dma_wait3A_105 = arith.constant 0 : i32
    %dma_wait3A_106 = tpu.memref_slice %arg2[%dma_wait3A_104, %dma_wait3A_105] : memref<150528x1024xf32, #tpu.memory_space<hbm>> -> memref<150528x1024xf32, #tpu.memory_space<hbm>>
    tpu.wait_indirect_dma semaphore(%arg8 : memref<!tpu.dma_semaphore, #tpu.memory_space<semaphore_mem>>) src(%dma_wait3A_106 : memref<150528x1024xf32, #tpu.memory_space<hbm>>) dst(%arg6 : memref<32x1024xf32, #tpu.memory_space<vmem>>)
    %add3A_107 = arith.constant 96 : i32
    %add3A_108 = arith.addi %mul3A_2, %add3A_107 : i32
    %dma_wait3A_109 = tpu.memref_reshape %arg4 : memref<2048x4x1024xf32, #tpu.memory_space<hbm>> -> memref<8192x1024xf32, #tpu.memory_space<hbm>>
    %dma_wait3A_110 = arith.constant 0 : i32
    %dma_wait3A_111 = tpu.memref_slice %dma_wait3A_109[%add3A_108, %dma_wait3A_110] : memref<8192x1024xf32, #tpu.memory_space<hbm>> -> memref<32x1024xf32, #tpu.memory_space<hbm>>
    %dma_wait3A_112 = tpu.memref_reshape %arg4 : memref<2048x4x1024xf32, #tpu.memory_space<hbm>> -> memref<8192x1024xf32, #tpu.memory_space<hbm>>
    %dma_wait3A_113 = arith.constant 0 : i32
    %dma_wait3A_114 = tpu.memref_slice %dma_wait3A_112[%add3A_108, %dma_wait3A_113] : memref<8192x1024xf32, #tpu.memory_space<hbm>> -> memref<32x1024xf32, #tpu.memory_space<hbm>>
    tpu.wait_dma2 semaphore(%arg11 : memref<!tpu.dma_semaphore, #tpu.memory_space<semaphore_mem>>) src(%arg7 : memref<32x1024xf32, #tpu.memory_space<vmem>>) dst(%dma_wait3A_114 : memref<32x1024xf32, #tpu.memory_space<hbm>>)
    %dma_start3A_115 = arith.constant 160 : i32
    %dma_start3A_116 = tpu.memref_slice %arg5[%dma_start3A_115] : memref<256xi32, #tpu.memory_space<vmem>> -> memref<32xi32, #tpu.memory_space<vmem>>
    %dma_start3A_117 = arith.constant 0 : i32
    %dma_start3A_118 = arith.constant 0 : i32
    %dma_start3A_119 = tpu.memref_slice %arg2[%dma_start3A_117, %dma_start3A_118] : memref<150528x1024xf32, #tpu.memory_space<hbm>> -> memref<150528x1024xf32, #tpu.memory_space<hbm>>
    tpu.enqueue_indirect_dma source(%dma_start3A_119 : memref<150528x1024xf32, #tpu.memory_space<hbm>>) target(%arg7 : memref<32x1024xf32, #tpu.memory_space<vmem>>) offsets(%dma_start3A_116 : memref<32xi32, #tpu.memory_space<vmem>>) semaphore(%arg9 : memref<!tpu.dma_semaphore, #tpu.memory_space<semaphore_mem>>)
    %add3A_120 = arith.constant 128 : i32
    %add3A_121 = arith.addi %mul3A_2, %add3A_120 : i32
    %dma_start3A_122 = tpu.memref_reshape %arg4 : memref<2048x4x1024xf32, #tpu.memory_space<hbm>> -> memref<8192x1024xf32, #tpu.memory_space<hbm>>
    %dma_start3A_123 = arith.constant 0 : i32
    %dma_start3A_124 = tpu.memref_slice %dma_start3A_122[%add3A_121, %dma_start3A_123] : memref<8192x1024xf32, #tpu.memory_space<hbm>> -> memref<32x1024xf32, #tpu.memory_space<hbm>>
    %dma_start3A_125 = tpu.memref_reshape %arg4 : memref<2048x4x1024xf32, #tpu.memory_space<hbm>> -> memref<8192x1024xf32, #tpu.memory_space<hbm>>
    %dma_start3A_126 = arith.constant 0 : i32
    %dma_start3A_127 = tpu.memref_slice %dma_start3A_125[%add3A_121, %dma_start3A_126] : memref<8192x1024xf32, #tpu.memory_space<hbm>> -> memref<32x1024xf32, #tpu.memory_space<hbm>>
    tpu.enqueue_dma source(%arg6 : memref<32x1024xf32, #tpu.memory_space<vmem>>) target(%dma_start3A_127 : memref<32x1024xf32, #tpu.memory_space<hbm>>) target_semaphore(%arg10 : memref<!tpu.dma_semaphore, #tpu.memory_space<semaphore_mem>>)
    %dma_wait3A_128 = arith.constant 160 : i32
    %dma_wait3A_129 = tpu.memref_slice %arg5[%dma_wait3A_128] : memref<256xi32, #tpu.memory_space<vmem>> -> memref<32xi32, #tpu.memory_space<vmem>>
    %dma_wait3A_130 = arith.constant 0 : i32
    %dma_wait3A_131 = arith.constant 0 : i32
    %dma_wait3A_132 = tpu.memref_slice %arg2[%dma_wait3A_130, %dma_wait3A_131] : memref<150528x1024xf32, #tpu.memory_space<hbm>> -> memref<150528x1024xf32, #tpu.memory_space<hbm>>
    tpu.wait_indirect_dma semaphore(%arg9 : memref<!tpu.dma_semaphore, #tpu.memory_space<semaphore_mem>>) src(%dma_wait3A_132 : memref<150528x1024xf32, #tpu.memory_space<hbm>>) dst(%arg7 : memref<32x1024xf32, #tpu.memory_space<vmem>>)
    %add3A_133 = arith.constant 128 : i32
    %add3A_134 = arith.addi %mul3A_2, %add3A_133 : i32
    %dma_wait3A_135 = tpu.memref_reshape %arg4 : memref<2048x4x1024xf32, #tpu.memory_space<hbm>> -> memref<8192x1024xf32, #tpu.memory_space<hbm>>
    %dma_wait3A_136 = arith.constant 0 : i32
    %dma_wait3A_137 = tpu.memref_slice %dma_wait3A_135[%add3A_134, %dma_wait3A_136] : memref<8192x1024xf32, #tpu.memory_space<hbm>> -> memref<32x1024xf32, #tpu.memory_space<hbm>>
    %dma_wait3A_138 = tpu.memref_reshape %arg4 : memref<2048x4x1024xf32, #tpu.memory_space<hbm>> -> memref<8192x1024xf32, #tpu.memory_space<hbm>>
    %dma_wait3A_139 = arith.constant 0 : i32
    %dma_wait3A_140 = tpu.memref_slice %dma_wait3A_138[%add3A_134, %dma_wait3A_139] : memref<8192x1024xf32, #tpu.memory_space<hbm>> -> memref<32x1024xf32, #tpu.memory_space<hbm>>
    tpu.wait_dma2 semaphore(%arg10 : memref<!tpu.dma_semaphore, #tpu.memory_space<semaphore_mem>>) src(%arg6 : memref<32x1024xf32, #tpu.memory_space<vmem>>) dst(%dma_wait3A_140 : memref<32x1024xf32, #tpu.memory_space<hbm>>)
    %dma_start3A_141 = arith.constant 192 : i32
    %dma_start3A_142 = tpu.memref_slice %arg5[%dma_start3A_141] : memref<256xi32, #tpu.memory_space<vmem>> -> memref<32xi32, #tpu.memory_space<vmem>>
    %dma_start3A_143 = arith.constant 0 : i32
    %dma_start3A_144 = arith.constant 0 : i32
    %dma_start3A_145 = tpu.memref_slice %arg2[%dma_start3A_143, %dma_start3A_144] : memref<150528x1024xf32, #tpu.memory_space<hbm>> -> memref<150528x1024xf32, #tpu.memory_space<hbm>>
    tpu.enqueue_indirect_dma source(%dma_start3A_145 : memref<150528x1024xf32, #tpu.memory_space<hbm>>) target(%arg6 : memref<32x1024xf32, #tpu.memory_space<vmem>>) offsets(%dma_start3A_142 : memref<32xi32, #tpu.memory_space<vmem>>) semaphore(%arg8 : memref<!tpu.dma_semaphore, #tpu.memory_space<semaphore_mem>>)
    %add3A_146 = arith.constant 160 : i32
    %add3A_147 = arith.addi %mul3A_2, %add3A_146 : i32
    %dma_start3A_148 = tpu.memref_reshape %arg4 : memref<2048x4x1024xf32, #tpu.memory_space<hbm>> -> memref<8192x1024xf32, #tpu.memory_space<hbm>>
    %dma_start3A_149 = arith.constant 0 : i32
    %dma_start3A_150 = tpu.memref_slice %dma_start3A_148[%add3A_147, %dma_start3A_149] : memref<8192x1024xf32, #tpu.memory_space<hbm>> -> memref<32x1024xf32, #tpu.memory_space<hbm>>
    %dma_start3A_151 = tpu.memref_reshape %arg4 : memref<2048x4x1024xf32, #tpu.memory_space<hbm>> -> memref<8192x1024xf32, #tpu.memory_space<hbm>>
    %dma_start3A_152 = arith.constant 0 : i32
    %dma_start3A_153 = tpu.memref_slice %dma_start3A_151[%add3A_147, %dma_start3A_152] : memref<8192x1024xf32, #tpu.memory_space<hbm>> -> memref<32x1024xf32, #tpu.memory_space<hbm>>
    tpu.enqueue_dma source(%arg7 : memref<32x1024xf32, #tpu.memory_space<vmem>>) target(%dma_start3A_153 : memref<32x1024xf32, #tpu.memory_space<hbm>>) target_semaphore(%arg11 : memref<!tpu.dma_semaphore, #tpu.memory_space<semaphore_mem>>)
    %dma_wait3A_154 = arith.constant 192 : i32
    %dma_wait3A_155 = tpu.memref_slice %arg5[%dma_wait3A_154] : memref<256xi32, #tpu.memory_space<vmem>> -> memref<32xi32, #tpu.memory_space<vmem>>
    %dma_wait3A_156 = arith.constant 0 : i32
    %dma_wait3A_157 = arith.constant 0 : i32
    %dma_wait3A_158 = tpu.memref_slice %arg2[%dma_wait3A_156, %dma_wait3A_157] : memref<150528x1024xf32, #tpu.memory_space<hbm>> -> memref<150528x1024xf32, #tpu.memory_space<hbm>>
    tpu.wait_indirect_dma semaphore(%arg8 : memref<!tpu.dma_semaphore, #tpu.memory_space<semaphore_mem>>) src(%dma_wait3A_158 : memref<150528x1024xf32, #tpu.memory_space<hbm>>) dst(%arg6 : memref<32x1024xf32, #tpu.memory_space<vmem>>)
    %add3A_159 = arith.constant 160 : i32
    %add3A_160 = arith.addi %mul3A_2, %add3A_159 : i32
    %dma_wait3A_161 = tpu.memref_reshape %arg4 : memref<2048x4x1024xf32, #tpu.memory_space<hbm>> -> memref<8192x1024xf32, #tpu.memory_space<hbm>>
    %dma_wait3A_162 = arith.constant 0 : i32
    %dma_wait3A_163 = tpu.memref_slice %dma_wait3A_161[%add3A_160, %dma_wait3A_162] : memref<8192x1024xf32, #tpu.memory_space<hbm>> -> memref<32x1024xf32, #tpu.memory_space<hbm>>
    %dma_wait3A_164 = tpu.memref_reshape %arg4 : memref<2048x4x1024xf32, #tpu.memory_space<hbm>> -> memref<8192x1024xf32, #tpu.memory_space<hbm>>
    %dma_wait3A_165 = arith.constant 0 : i32
    %dma_wait3A_166 = tpu.memref_slice %dma_wait3A_164[%add3A_160, %dma_wait3A_165] : memref<8192x1024xf32, #tpu.memory_space<hbm>> -> memref<32x1024xf32, #tpu.memory_space<hbm>>
    tpu.wait_dma2 semaphore(%arg11 : memref<!tpu.dma_semaphore, #tpu.memory_space<semaphore_mem>>) src(%arg7 : memref<32x1024xf32, #tpu.memory_space<vmem>>) dst(%dma_wait3A_166 : memref<32x1024xf32, #tpu.memory_space<hbm>>)
    %dma_start3A_167 = arith.constant 224 : i32
    %dma_start3A_168 = tpu.memref_slice %arg5[%dma_start3A_167] : memref<256xi32, #tpu.memory_space<vmem>> -> memref<32xi32, #tpu.memory_space<vmem>>
    %dma_start3A_169 = arith.constant 0 : i32
    %dma_start3A_170 = arith.constant 0 : i32
    %dma_start3A_171 = tpu.memref_slice %arg2[%dma_start3A_169, %dma_start3A_170] : memref<150528x1024xf32, #tpu.memory_space<hbm>> -> memref<150528x1024xf32, #tpu.memory_space<hbm>>
    tpu.enqueue_indirect_dma source(%dma_start3A_171 : memref<150528x1024xf32, #tpu.memory_space<hbm>>) target(%arg7 : memref<32x1024xf32, #tpu.memory_space<vmem>>) offsets(%dma_start3A_168 : memref<32xi32, #tpu.memory_space<vmem>>) semaphore(%arg9 : memref<!tpu.dma_semaphore, #tpu.memory_space<semaphore_mem>>)
    %add3A_172 = arith.constant 192 : i32
    %add3A_173 = arith.addi %mul3A_2, %add3A_172 : i32
    %dma_start3A_174 = tpu.memref_reshape %arg4 : memref<2048x4x1024xf32, #tpu.memory_space<hbm>> -> memref<8192x1024xf32, #tpu.memory_space<hbm>>
    %dma_start3A_175 = arith.constant 0 : i32
    %dma_start3A_176 = tpu.memref_slice %dma_start3A_174[%add3A_173, %dma_start3A_175] : memref<8192x1024xf32, #tpu.memory_space<hbm>> -> memref<32x1024xf32, #tpu.memory_space<hbm>>
    %dma_start3A_177 = tpu.memref_reshape %arg4 : memref<2048x4x1024xf32, #tpu.memory_space<hbm>> -> memref<8192x1024xf32, #tpu.memory_space<hbm>>
    %dma_start3A_178 = arith.constant 0 : i32
    %dma_start3A_179 = tpu.memref_slice %dma_start3A_177[%add3A_173, %dma_start3A_178] : memref<8192x1024xf32, #tpu.memory_space<hbm>> -> memref<32x1024xf32, #tpu.memory_space<hbm>>
    tpu.enqueue_dma source(%arg6 : memref<32x1024xf32, #tpu.memory_space<vmem>>) target(%dma_start3A_179 : memref<32x1024xf32, #tpu.memory_space<hbm>>) target_semaphore(%arg10 : memref<!tpu.dma_semaphore, #tpu.memory_space<semaphore_mem>>)
    %dma_wait3A_180 = arith.constant 224 : i32
    %dma_wait3A_181 = tpu.memref_slice %arg5[%dma_wait3A_180] : memref<256xi32, #tpu.memory_space<vmem>> -> memref<32xi32, #tpu.memory_space<vmem>>
    %dma_wait3A_182 = arith.constant 0 : i32
    %dma_wait3A_183 = arith.constant 0 : i32
    %dma_wait3A_184 = tpu.memref_slice %arg2[%dma_wait3A_182, %dma_wait3A_183] : memref<150528x1024xf32, #tpu.memory_space<hbm>> -> memref<150528x1024xf32, #tpu.memory_space<hbm>>
    tpu.wait_indirect_dma semaphore(%arg9 : memref<!tpu.dma_semaphore, #tpu.memory_space<semaphore_mem>>) src(%dma_wait3A_184 : memref<150528x1024xf32, #tpu.memory_space<hbm>>) dst(%arg7 : memref<32x1024xf32, #tpu.memory_space<vmem>>)
    %add3A_185 = arith.constant 224 : i32
    %add3A_186 = arith.addi %mul3A_2, %add3A_185 : i32
    %dma_start3A_187 = tpu.memref_reshape %arg4 : memref<2048x4x1024xf32, #tpu.memory_space<hbm>> -> memref<8192x1024xf32, #tpu.memory_space<hbm>>
    %dma_start3A_188 = arith.constant 0 : i32
    %dma_start3A_189 = tpu.memref_slice %dma_start3A_187[%add3A_186, %dma_start3A_188] : memref<8192x1024xf32, #tpu.memory_space<hbm>> -> memref<32x1024xf32, #tpu.memory_space<hbm>>
    %dma_start3A_190 = tpu.memref_reshape %arg4 : memref<2048x4x1024xf32, #tpu.memory_space<hbm>> -> memref<8192x1024xf32, #tpu.memory_space<hbm>>
    %dma_start3A_191 = arith.constant 0 : i32
    %dma_start3A_192 = tpu.memref_slice %dma_start3A_190[%add3A_186, %dma_start3A_191] : memref<8192x1024xf32, #tpu.memory_space<hbm>> -> memref<32x1024xf32, #tpu.memory_space<hbm>>
    tpu.enqueue_dma source(%arg7 : memref<32x1024xf32, #tpu.memory_space<vmem>>) target(%dma_start3A_192 : memref<32x1024xf32, #tpu.memory_space<hbm>>) target_semaphore(%arg11 : memref<!tpu.dma_semaphore, #tpu.memory_space<semaphore_mem>>)
    %add3A_193 = arith.constant 192 : i32
    %add3A_194 = arith.addi %mul3A_2, %add3A_193 : i32
    %dma_wait3A_195 = tpu.memref_reshape %arg4 : memref<2048x4x1024xf32, #tpu.memory_space<hbm>> -> memref<8192x1024xf32, #tpu.memory_space<hbm>>
    %dma_wait3A_196 = arith.constant 0 : i32
    %dma_wait3A_197 = tpu.memref_slice %dma_wait3A_195[%add3A_194, %dma_wait3A_196] : memref<8192x1024xf32, #tpu.memory_space<hbm>> -> memref<32x1024xf32, #tpu.memory_space<hbm>>
    %dma_wait3A_198 = tpu.memref_reshape %arg4 : memref<2048x4x1024xf32, #tpu.memory_space<hbm>> -> memref<8192x1024xf32, #tpu.memory_space<hbm>>
    %dma_wait3A_199 = arith.constant 0 : i32
    %dma_wait3A_200 = tpu.memref_slice %dma_wait3A_198[%add3A_194, %dma_wait3A_199] : memref<8192x1024xf32, #tpu.memory_space<hbm>> -> memref<32x1024xf32, #tpu.memory_space<hbm>>
    tpu.wait_dma2 semaphore(%arg10 : memref<!tpu.dma_semaphore, #tpu.memory_space<semaphore_mem>>) src(%arg6 : memref<32x1024xf32, #tpu.memory_space<vmem>>) dst(%dma_wait3A_200 : memref<32x1024xf32, #tpu.memory_space<hbm>>)
    %add3A_201 = arith.constant 224 : i32
    %add3A_202 = arith.addi %mul3A_2, %add3A_201 : i32
    %dma_wait3A_203 = tpu.memref_reshape %arg4 : memref<2048x4x1024xf32, #tpu.memory_space<hbm>> -> memref<8192x1024xf32, #tpu.memory_space<hbm>>
    %dma_wait3A_204 = arith.constant 0 : i32
    %dma_wait3A_205 = tpu.memref_slice %dma_wait3A_203[%add3A_202, %dma_wait3A_204] : memref<8192x1024xf32, #tpu.memory_space<hbm>> -> memref<32x1024xf32, #tpu.memory_space<hbm>>
    %dma_wait3A_206 = tpu.memref_reshape %arg4 : memref<2048x4x1024xf32, #tpu.memory_space<hbm>> -> memref<8192x1024xf32, #tpu.memory_space<hbm>>
    %dma_wait3A_207 = arith.constant 0 : i32
    %dma_wait3A_208 = tpu.memref_slice %dma_wait3A_206[%add3A_202, %dma_wait3A_207] : memref<8192x1024xf32, #tpu.memory_space<hbm>> -> memref<32x1024xf32, #tpu.memory_space<hbm>>
    tpu.wait_dma2 semaphore(%arg11 : memref<!tpu.dma_semaphore, #tpu.memory_space<semaphore_mem>>) src(%arg7 : memref<32x1024xf32, #tpu.memory_space<vmem>>) dst(%dma_wait3A_208 : memref<32x1024xf32, #tpu.memory_space<hbm>>)
    return
  }
}

module attributes {stable_mosaic.version = 14 : i64} {
  func.func @_mask_pos_kernel(%arg0: i32, %arg1: i32, %arg2: memref<1x1x2048xi32, #tpu.memory_space<vmem>>, %arg3: memref<1x1x256x2048xi32, #tpu.memory_space<vmem>>, %arg4: memref<1x2x2048xi32, #tpu.memory_space<vmem>>) attributes {dimension_semantics = [#tpu.dimension_semantics<arbitrary>, #tpu.dimension_semantics<arbitrary>], iteration_bounds = array<i64: 4, 8>, scalar_prefetch = 0 : i64, scratch_operands = 0 : i64, tpu.core_type = #tpu.core_type<tc>, window_params = [{transform_indices = @transform_0, window_bounds = array<i64: 1, 1, 2048>}, {transform_indices = @transform_1, window_bounds = array<i64: 1, 1, 256, 2048>}, {transform_indices = @transform_2, window_bounds = array<i64: 1, 2, 2048>}]} {
    %get3A = arith.constant 0 : index
    %get3A_0 = arith.constant 0 : index
    %get3A_1 = arith.constant 0 : index
    %get3A_2 = vector.load %arg2[%get3A, %get3A_0, %get3A_1] : memref<1x1x2048xi32, #tpu.memory_space<vmem>>, vector<1x1x2048xi32>
    %get3A_3 = vector.shape_cast %get3A_2 : vector<1x1x2048xi32> to vector<1x2048xi32>
    %iota3A = tpu.iota {dimensions = array<i32: 1>} : vector<1x2048xi32>
    %eq3A = arith.constant 150004 : i32
    %eq3A_4 = vector.broadcast %eq3A : i32 to vector<1x2048xi32>
    %eq3A_5 = arith.cmpi eq, %get3A_3, %eq3A_4 : vector<1x2048xi32>
    %jit3A = arith.constant 2048 : i32
    %broadcast_in_dim3A = vector.broadcast %jit3A : i32 to vector<1x2048xi32>
    %select_n3A = arith.select %eq3A_5, %iota3A, %broadcast_in_dim3A : vector<1x2048xi1>, vector<1x2048xi32>
    %reduce_min3A = vector.shape_cast %select_n3A : vector<1x2048xi32> to vector<1x1x2048xi32>
    %reduce_min3A_6 = arith.constant dense<2147483647> : vector<1xi32>
    %reduce_min3A_7 = vector.multi_reduction <minsi>, %reduce_min3A, %reduce_min3A_6 [1, 2] : vector<1x1x2048xi32> to vector<1xi32>
    %reduce_min3A_8 = vector.shape_cast %reduce_min3A_7 : vector<1xi32> to vector<1x1x1xi32>
    %reduce_min3A_9 = vector.extract %reduce_min3A_8[0, 0, 0] : i32 from vector<1x1x1xi32>
    %eq3A_10 = arith.constant 150001 : i32
    %eq3A_11 = vector.broadcast %eq3A_10 : i32 to vector<1x2048xi32>
    %eq3A_12 = arith.cmpi eq, %get3A_3, %eq3A_11 : vector<1x2048xi32>
    %jit3A_13 = arith.constant 2048 : i32
    %broadcast_in_dim3A_14 = vector.broadcast %jit3A_13 : i32 to vector<1x2048xi32>
    %select_n3A_15 = arith.select %eq3A_12, %iota3A, %broadcast_in_dim3A_14 : vector<1x2048xi1>, vector<1x2048xi32>
    %reduce_min3A_16 = vector.shape_cast %select_n3A_15 : vector<1x2048xi32> to vector<1x1x2048xi32>
    %reduce_min3A_17 = arith.constant dense<2147483647> : vector<1xi32>
    %reduce_min3A_18 = vector.multi_reduction <minsi>, %reduce_min3A_16, %reduce_min3A_17 [1, 2] : vector<1x1x2048xi32> to vector<1xi32>
    %reduce_min3A_19 = vector.shape_cast %reduce_min3A_18 : vector<1xi32> to vector<1x1x1xi32>
    %reduce_min3A_20 = vector.extract %reduce_min3A_19[0, 0, 0] : i32 from vector<1x1x1xi32>
    %iota3A_21 = tpu.iota {dimensions = array<i32: 0>} : vector<256x1xi32>
    %mul3A = arith.constant 256 : i32
    %mul3A_22 = arith.muli %arg1, %mul3A : i32
    %add3A = arith.constant 1 : i32
    %add3A_23 = arith.addi %mul3A_22, %add3A : i32
    %add3A_24 = vector.broadcast %add3A_23 : i32 to vector<256x1xi32>
    %add3A_25 = arith.addi %iota3A_21, %add3A_24 : vector<256x1xi32>
    %max3A = vector.broadcast %reduce_min3A_9 : i32 to vector<256x1xi32>
    %max3A_26 = arith.maxsi %add3A_25, %max3A : vector<256x1xi32>
    %iota3A_27 = tpu.iota {dimensions = array<i32: 1>} : vector<256x2048xi32>
    %ge3A = vector.broadcast %max3A_26 : vector<256x1xi32> to vector<256x2048xi32>
    %ge3A_28 = arith.cmpi sge, %iota3A_27, %ge3A : vector<256x2048xi32>
    %swap3A = arith.constant 0 : index
    %swap3A_29 = arith.constant 0 : index
    %swap3A_30 = arith.constant 0 : index
    %swap3A_31 = arith.constant 0 : index
    %swap3A_32 = vector.load %arg3[%swap3A, %swap3A_29, %swap3A_30, %swap3A_31] : memref<1x1x256x2048xi32, #tpu.memory_space<vmem>>, vector<1x1x256x2048xi32>
    %swap3A_33 = arith.extui %ge3A_28 : vector<256x2048xi1> to vector<256x2048xi32>
    %swap3A_34 = vector.shape_cast %swap3A_32 : vector<1x1x256x2048xi32> to vector<256x2048xi32>
    %swap3A_35 = vector.shape_cast %swap3A_33 : vector<256x2048xi32> to vector<1x1x256x2048xi32>
    %swap3A_36 = arith.constant dense<0> : vector<256x2048xi32>
    %swap3A_37 = arith.cmpi ne, %swap3A_34, %swap3A_36 : vector<256x2048xi32>
    tpu.vector_store %arg3[%swap3A, %swap3A_29, %swap3A_30, %swap3A_31], %swap3A_35 {strides = array<i32>} : memref<1x1x256x2048xi32, #tpu.memory_space<vmem>>, vector<1x1x256x2048xi32>,
    %eq3A_38 = arith.constant 0 : i32
    %eq3A_39 = arith.cmpi eq, %arg1, %eq3A_38 : i32
    %convert_element_type3A = arith.extui %eq3A_39 : i1 to i32
    %cond3A = arith.constant 0 : i32
    %cond3A_40 = arith.cmpi ne, %convert_element_type3A, %cond3A : i32
    scf.if %cond3A_40 {
      %ge3A_41 = vector.broadcast %reduce_min3A_9 : i32 to vector<1x2048xi32>
      %ge3A_42 = arith.cmpi sge, %iota3A, %ge3A_41 : vector<1x2048xi32>
      %broadcast_in_dim3A_43 = vector.broadcast %reduce_min3A_20 : i32 to vector<1x2048xi32>
      %select_n3A_44 = arith.select %ge3A_42, %broadcast_in_dim3A_43, %iota3A : vector<1x2048xi1>, vector<1x2048xi32>
      %swap3A_45 = arith.constant 0 : index
      %swap3A_46 = arith.constant 0 : index
      %swap3A_47 = arith.constant 0 : index
      %swap3A_48 = vector.load %arg4[%swap3A_45, %swap3A_46, %swap3A_47] : memref<1x2x2048xi32, #tpu.memory_space<vmem>>, vector<1x1x2048xi32>
      %swap3A_49 = vector.shape_cast %swap3A_48 : vector<1x1x2048xi32> to vector<1x2048xi32>
      %swap3A_50 = vector.shape_cast %select_n3A_44 : vector<1x2048xi32> to vector<1x1x2048xi32>
      tpu.vector_store %arg4[%swap3A_45, %swap3A_46, %swap3A_47], %swap3A_50 {strides = array<i32>} : memref<1x2x2048xi32, #tpu.memory_space<vmem>>, vector<1x1x2048xi32>,
      %lt3A = vector.broadcast %reduce_min3A_9 : i32 to vector<1x2048xi32>
      %lt3A_51 = arith.cmpi slt, %iota3A, %lt3A : vector<1x2048xi32>
      %sub3A = vector.broadcast %reduce_min3A_9 : i32 to vector<1x2048xi32>
      %sub3A_52 = arith.subi %iota3A, %sub3A : vector<1x2048xi32>
      %add3A_53 = arith.constant 1 : i32
      %add3A_54 = vector.broadcast %add3A_53 : i32 to vector<1x2048xi32>
      %add3A_55 = arith.addi %sub3A_52, %add3A_54 : vector<1x2048xi32>
      %jit3A_56 = arith.constant 0 : i32
      %broadcast_in_dim3A_57 = vector.broadcast %jit3A_56 : i32 to vector<1x2048xi32>
      %select_n3A_58 = arith.select %lt3A_51, %broadcast_in_dim3A_57, %add3A_55 : vector<1x2048xi1>, vector<1x2048xi32>
      %swap3A_59 = arith.constant 0 : index
      %swap3A_60 = arith.constant 1 : index
      %swap3A_61 = arith.constant 0 : index
      %swap3A_62 = vector.load %arg4[%swap3A_59, %swap3A_60, %swap3A_61] : memref<1x2x2048xi32, #tpu.memory_space<vmem>>, vector<1x1x2048xi32>
      %swap3A_63 = vector.shape_cast %swap3A_62 : vector<1x1x2048xi32> to vector<1x2048xi32>
      %swap3A_64 = vector.shape_cast %select_n3A_58 : vector<1x2048xi32> to vector<1x1x2048xi32>
      tpu.vector_store %arg4[%swap3A_59, %swap3A_60, %swap3A_61], %swap3A_64 {strides = array<i32>} : memref<1x2x2048xi32, #tpu.memory_space<vmem>>, vector<1x1x2048xi32>,
    } else {
    }
    return
  }
  func.func @transform_0(%arg0: i32, %arg1: i32) -> (i32, i32, i32) {
    %c0_i32 = arith.constant 0 : i32
    %c0_i32_0 = arith.constant 0 : i32
    %c0_i32_1 = arith.constant 0 : i32
    return %arg0, %c0_i32, %c0_i32_0 : i32, i32, i32
  }
  func.func @transform_1(%arg0: i32, %arg1: i32) -> (i32, i32, i32, i32) {
    %c0_i32 = arith.constant 0 : i32
    %c0_i32_0 = arith.constant 0 : i32
    %c0_i32_1 = arith.constant 0 : i32
    return %arg0, %c0_i32, %arg1, %c0_i32_0 : i32, i32, i32, i32
  }
  func.func @transform_2(%arg0: i32, %arg1: i32) -> (i32, i32, i32) {
    %c0_i32 = arith.constant 0 : i32
    %c0_i32_0 = arith.constant 0 : i32
    %c0_i32_1 = arith.constant 0 : i32
    return %arg0, %c0_i32, %c0_i32_0 : i32, i32, i32
  }
}

</mosaic_0001>

<sc_bundles>
// kernel: kernel.4.cloned.1.call-start
scs
__scs_entry_jumppad:
0x0: {  	(pc) =	sbr.rel $0x88, $3  }
0x1: {  	(tag) =	ssettag $0x0;
	lr =	simm.s32 $0x1  }
0x2: {  	[smem:$0x3F9E] =	sst lr;
	_ =	strace $0xD0000000  }
0x3: {  	_ = 	snop  }
0x4: {  	_ = 	snop  }
0x5: {  	_ = 	snop  }
0x6: {  	_ = 	snop  }
0x7: {  	_ = 	snop  }
__scs_overlays_trampoline_lowered:
0x8: {  	[smem:$0x3FAD] =	sst s0  }
0x9: {  	[smem:$0x3FAE] =	sst s1  }
0xa: {  	[smem:$0x3FAF] =	sst s2  }
0xb: {  	[smem:$0x3FB0] =	sst s3  }
0xc: {  	[smem:$0x3FB1] =	sst s4  }
0xd: {  	[smem:$0x3FB2] =	sst s5  }
0xe: {  	[smem:$0x3FB3] =	sst s6  }
0xf: {  	[smem:$0x3FB4] =	sst s7  }
0x10: {  	[smem:$0x3FB5] =	sst s8  }
0x11: {  	[smem:$0x3FB6] =	sst s9;
	s0 =	simm.s32 @!p0 $0x0  }
0x12: {  	s1 =	sld [smem:$0x3F9C];
	s0 =	simm.s32 @p0 $0x1  }
0x13: {  	[smem:$0x3FB7] =	sst s0;
	s0 =	simm.s32 @!p1 $0x0  }
0x14: {  	s2 =	sld [smem:$0x3F9B];
	s0 =	simm.s32 @p1 $0x1  }
0x15: {  	[smem:$0x3FB8] =	sst s0;
	s0 =	simm.s32 @!p2 $0x0  }
0x16: {  	s3 =	sld [smem:$0x3FDB];
	s0 =	simm.s32 @p2 $0x1  }
0x17: {  	s4 =	simm.s32 $0x1BF5;
	[smem:$0x3FBA] =	sst s0  }
0x18: {  	s0 =	sld [smem:$0x3F9D];
	_ =	swait.ge [sflag:s4], $0x0  }
0x19: {  	s7 =	sld [smem:$0x3F9E]  }
0x1a: {  	s8 =	sadd.s32 $0xFFFFE003, lr  }
0x1b: {  	s9 =	sadd.s32 $0xFFFFFEF7, lr;
	s5 =	simm.s32 $0xFFFFFFFF;
	p2 =	slt.u32 s8, $0xFFFFF086  }
0x1c: {  	p1 =	slt.u32 s9, $0xF7A;
	s5 =	simm.s32 @!p2 $0x0  }
0x1d: {  	s5 =	simm.s32 @p1 $0x1;
	p0 =	seq.s32 s7, s2  }
0x1e: {  	s7 =	smul.u32 @!p0 $0xF7A, s2;
	p2 =	seq.s32 @!p0 s5, $0x0  }
0x1f: {  	s9 =	smul.u32 $0xF7A, s1;
	s8 =	simm.s32 @!p0 $0x1BF5;
	p2 =	por !p2, p0  }
0x20: {  	[sflag:s8] =	ssyncset.s32 @!p0 $0xFFFFF086;
	s6 =	sadd.s32 @!p0 s3, s7;
	s7 =	simm.s32 @!p0 $0x108  }
0x21: {  	s3 =	sadd.s32 s3, s9;
	s6 =	sadd.s32 @!p0 $0x88, s6;
	s7 =	simm.s32 @p2 $0x1082  }
0x22: {  	[simem:s7], [sflag:s8] =	dma.local @!p0 [hbm:s6], $0xF7A  }
0x23: {  	s9 =	sor.u32 $0xD0000000, s2;
	s6 =	simm.s32 $0x108;
	_ =	swait.ge @!p0 [sflag:s8], $0x0  }
0x24: {  	s3 =	sadd.s32 $0x88, s3;
	s6 =	simm.s32 @!p1 $0x1082;
	[sflag:s4] =	ssyncset.s32 $0xFFFFF086  }
0x25: {  	[simem:s6], [sflag:s4] =	dma.local [hbm:s3], $0xF7A  }
0x26: {  	[smem:$0x3F9E] =	sst s1;
	(tag) =	ssettag s2;
	_ =	strace s9  }
0x27: {  	s1 =	sld [smem:$0x3FAE]  }
0x28: {  	s2 =	sld [smem:$0x3FAF]  }
0x29: {  	s4 =	sld [smem:$0x3FB1]  }
0x2a: {  	p0 =	seq.s32 s5, $0x0;
	s5 =	sld [smem:$0x3FB2]  }
0x2b: {  	s6 =	sld [smem:$0x3FB3]  }
0x2c: {  	s7 =	sld [smem:$0x3FB4]  }
0x2d: {  	s3 =	simm.s32 $0x108;
	s8 =	sld [smem:$0x3FB5]  }
0x2e: {  	s3 =	simm.s32 @!p0 $0x1082;
	s9 =	sld [smem:$0x3FB6]  }
0x2f: {  	lr =	sadd.s32 s0, s3;
	s0 =	sld [smem:$0x3FAD]  }
0x30: {  	s3 =	sld [smem:$0x3FB0]  }
0x31: {  	[smem:$0x3FB9] =	sst s10  }
0x32: {  	s10 =	sld [smem:$0x3FB7];
	_ =	sdelay $0x3  }
0x33: {  	p0 =	seq.s32 s10, $0x1;
	s10 =	sld [smem:$0x3FB9];
	_ =	sdelay $0x3  }
0x34: {  	[smem:$0x3FB9] =	sst s10  }
0x35: {  	s10 =	sld [smem:$0x3FB8];
	_ =	sdelay $0x3  }
0x36: {  	p1 =	seq.s32 s10, $0x1;
	s10 =	sld [smem:$0x3FB9];
	_ =	sdelay $0x3  }
0x37: {  	[smem:$0x3FB9] =	sst s10  }
0x38: {  	s10 =	sld [smem:$0x3FBA]  }
0x39: {  	_ = 	snop;
	(pc) =	sbr.ind lr, $3  }
0x3a: {  	_ = 	snop  }
0x3b: {  	_ = 	snop  }
0x3c: {  	p2 =	seq.s32 s10, $0x1;
	s10 =	sld [smem:$0x3FB9]  }
0x3d: {  	_ =	shalt  }
0x3e: {  	_ =	shalt  }
0x3f: {  	_ =	shalt  }
0x40: {  	_ =	shalt  }
0x41: {  	_ =	shalt  }
0x42: {  	_ =	shalt  }
0x43: {  	_ =	shalt  }
0x44: {  	_ =	shalt  }
0x45: {  	_ =	shalt  }
0x46: {  	_ =	shalt  }
0x47: {  	_ =	shalt  }
0x48: {  	_ =	shalt  }
0x49: {  	_ =	shalt  }
0x4a: {  	_ =	shalt  }
0x4b: {  	_ =	shalt  }
0x4c: {  	_ =	shalt  }
0x4d: {  	_ =	shalt  }
0x4e: {  	_ =	shalt  }
0x4f: {  	_ =	shalt  }
0x50: {  	_ =	shalt  }
0x51: {  	_ =	shalt  }
0x52: {  	_ =	shalt  }
0x53: {  	_ =	shalt  }
0x54: {  	_ =	shalt  }
0x55: {  	_ =	shalt  }
0x56: {  	_ =	shalt  }
0x57: {  	_ =	shalt  }
0x58: {  	_ =	shalt  }
0x59: {  	_ =	shalt  }
0x5a: {  	_ =	shalt  }
0x5b: {  	_ =	shalt  }
0x5c: {  	_ =	shalt  }
0x5d: {  	_ =	shalt  }
0x5e: {  	_ =	shalt  }
0x5f: {  	_ =	shalt  }
0x60: {  	_ =	shalt  }
0x61: {  	_ =	shalt  }
0x62: {  	_ =	shalt  }
0x63: {  	_ =	shalt  }
0x64: {  	_ =	shalt  }
0x65: {  	_ =	shalt  }
0x66: {  	_ =	shalt  }
0x67: {  	_ =	shalt  }
0x68: {  	_ =	shalt  }
0x69: {  	_ =	shalt  }
0x6a: {  	_ =	shalt  }
0x6b: {  	_ =	shalt  }
0x6c: {  	_ =	shalt  }
0x6d: {  	_ =	shalt  }
0x6e: {  	_ =	shalt  }
0x6f: {  	_ =	shalt  }
0x70: {  	_ =	shalt  }
0x71: {  	_ =	shalt  }
0x72: {  	_ =	shalt  }
0x73: {  	_ =	shalt  }
0x74: {  	_ =	shalt  }
0x75: {  	_ =	shalt  }
0x76: {  	_ =	shalt  }
0x77: {  	_ =	shalt  }
0x78: {  	_ =	shalt  }
0x79: {  	_ =	shalt  }
0x7a: {  	_ =	shalt  }
0x7b: {  	_ =	shalt  }
0x7c: {  	_ =	shalt  }
0x7d: {  	_ =	shalt  }
0x7e: {  	_ =	shalt  }
0x7f: {  	_ =	shalt  }
0x80: {  	_ =	shalt  }
0x81: {  	_ =	shalt  }
0x82: {  	_ =	shalt  }
0x83: {  	_ =	shalt  }
0x84: {  	_ =	shalt  }
0x85: {  	_ =	shalt  }
0x86: {  	_ =	shalt  }
0x87: {  	_ =	shalt  }
.Lfunc_end0:
.L_simem_size_0:
called_computation_lowered:
.L_overlay_start_0:
0x88: {  	s2 =	sld [smem:$0x3FD9]  }
0x89: {  	s3 =	sld [smem:$0x3FFE];
	_ =	sdelay $0x1  }
0x8a: {  	s1 =	srdreg.scid  }
0x8b: {  	s0 =	sand.u32 $0x1, s1  }
0x8c: {  	s15 =	sshll.u32 s0, $0xA;
	s2 =	sadd.s32 s3, s2  }
0x8d: {  	s2 =	sadd.s32 s2, s15  }
0x8e: {  	[smem:$0x3FC5] =	sst s2  }
0x8f: {  	_ = 	snop  }
0x90: {  	s2 =	sld [smem:$0x3FD0];
	_ =	sdelay $0x2  }
0x91: {  	s4 =	simm.s32 $0xA;
	s5 =	simm.s32 $0x10;
	s16 =	sld [smem:$0x3FC7]  }
0x92: {  	[smem:s5], [sflag:s4] =	dma.local [hbm:s2], $0x1  }
0x93: {  	_ =	swait.eq [sflag:s4], $0x1  }
0x94: {  	[sflag:s4] =	ssyncset.done $0x0  }
0x95: {  	s17 =	sld [smem:$0x10];
	[sflag:s4] =	ssyncadd.s32 $0xFFFFFFFF  }
0x96: {  	s18 =	sld [smem:$0x13];
	(tm) =	ssettm $0x1  }
0x97: {  	s19 =	sld [smem:$0x3FFB];
	_ =	sdelay $0x3  }
0x98: {  	_ =	strace s19  }
0x99: {  	s5 =	sld [smem:$0x3FFC];
	_ =	sdelay $0x3  }
0x9a: {  	_ =	strace s5  }
0x9b: {  	s5 =	sld [smem:$0x3FFD];
	_ =	sdelay $0x3  }
0x9c: {  	_ =	strace s5  }
0x9d: {  	_ =	strace $0x8FFFFFFF  }
0x9e: {  	s20 =	sld [smem:$0x3FDB];
	_ =	sdelay $0x1  }
0x9f: {  	s6 =	simm.s32 $_scs_section_size  }
0xa0: {  	s7 =	simm.s32 $_size__tile_overlayer_lowered;
	s8 =	simm.s32 $_tile_overlayer_lowered  }
0xa1: {  	s23 =	simm.s32 $0x1BFF;
	s22 =	sshll.u32 s8, $0x1;
	s5 =	sadd.s32 s6, s20  }
0xa2: {  	s9 =	simm.s32 $0x0;
	s21 =	sshll.u32 s7, $0x1;
	s7 =	sadd.s32 s22, s5  }
0xa3: {  	[timem:s9], [sflag:s23] =	dma.local [hbm:s7], s21  }
0xa4: {  	_ =	swait.ge [sflag:s23], s21  }
0xa5: {  	s6 =	ssub.s32 $0x0, s21;
	[sflag:s23] =	ssyncset.done $0x0  }
0xa6: {  	[sflag:s23] =	ssyncadd.s32 s6;
	_ =	sdelay $0x1  }
0xa7: {  	s24 =	simm.s32 $0x1B8B  }
0xa8: {  	_ =	swait.ge [sflag:s24], $0x1  }
0xa9: {  	[sflag:s24] =	ssyncset.done $0x0  }
0xaa: {  	s25 =	simm.s32 $0x1B8E;
	[sflag:s24] =	ssyncadd.s32 $0xFFFFFFFF  }
0xab: {  	s26 =	simm.s32 $execute0_lowered;
	[smem:$0x3FD2] =	sst s25  }
0xac: {  	s6 =	sshll.u32 s26, $0x1;
	_ =	strace $0x80000046;
	[dreg:$0x1] =	wrdreg $0xFFFFFFFF  }
0xad: {  	s28 =	simm.s32 $_size_execute0_lowered;
	s5 =	sadd.s32 s5, s6;
	[dreg:$0x0] =	wrdreg $0x0  }
0xae: {  	s6 =	sshll.u32 s28, $0x1;
	[dreg:$0x2] =	wrdreg s5  }
0xaf: {  	[dreg:$0x3] =	wrdreg s6  }
0xb0: {  	[dreg:$0x4] =	wrdreg $0xC0  }
0xb1: {  	_ =	task [dreg:s9], $0x5FFFF  }
0xb2: {  	[dreg:$0x1] =	wrdreg $0xFFFFFFFF  }
0xb3: {  	[dreg:$0x0] =	wrdreg $0x60  }
0xb4: {  	[dreg:$0x2] =	wrdreg s16  }
0xb5: {  	[dreg:$0x3] =	wrdreg s18  }
0xb6: {  	[dreg:$0x4] =	wrdreg s17  }
0xb7: {  	[dreg:$0x5] =	wrdreg $0x9  }
0xb8: {  	_ =	task.clear_ibuf [dreg:s9], $0x6FFFF;
	_ =	strace $0x90000046  }
0xb9: {  	s29 =	simm.s32 $0x9;
	_ =	strace $0x80000048  }
0xba: {  	_ =	swait.ge [sflag:s29], $0x1  }
0xbb: {  	[sflag:s29] =	ssyncadd.s32 $0xFFFFFFFF  }
0xbc: {  	_ =	strace $0x90000048  }
0xbd: {  	_ =	sfence  }
0xbe: {  	s30 =	sld [smem:$0x0];
	_ =	sdelay $0x2  }
0xbf: {  	s31 =	sshll.u32 s1, $0xD;
	s1 =	sshrl.u32 s1, $0x2  }
0xc0: {  	s3 =	sand.u32 $0x4000, s31;
	s1 =	sadd.s32 s1, s30  }
0xc1: {  	s0 =	sor.u32 s3, s0;
	s1 =	sshll.u32 s1, $0x11  }
0xc2: {  	s0 =	sor.u32 s1, s0  }
0xc3: {  	s0 =	sadd.s32 $0x8F2B, s0  }
0xc4: {  	[sflag:s0] =	ssyncadd.remote.s32 $0x1  }
0xc5: {  	_ =	sfence.sel $0xFFFF  }
0xc6: {  	[dreg:$0x0] =	wrdreg $0xFFFFFFFF;
	(pc) =	sbr.abs _section_cstart, $3  }
0xc7: {  	[dreg:$0x1] =	wrdreg $0xFFFFFFFF  }
0xc8: {  	_ =	task.clear_ibuf [dreg:s9], $0x2FFFF;
	_ =	strace $0x9FFFFFFF  }
0xc9: {  	(tm) =	ssettm $0x7FFFFFFF  }
tec
execute0_lowered:
.L_overlay_start_1:
0x0: {  	(tag) =	ssettag $0x1  }
0x1: {  	s1 =	rddreg [dreg:$0x0]  }
0x2: {  	s0 =	rddreg [dreg:$0x1]  }
0x3: {  	s2 =	rddreg [dreg:$0x2];
	s4 =	srdreg.scid;
	s3 =	simm.s32 $0x0  }
0x4: {  	s6 =	stileid.u32;
	s29 =	simm.s32 $0xD900;
	s30 =	simm.s32 $0xE100  }
0x5: {  	s31 =	simm.s32 $0xE900;
	s17 =	simm.s32 $0x1000;
	s18 =	simm.s32 $0x2  }
0x6: {  	s19 =	simm.s32 $0x3;
	s20 =	simm.s32 $0x4;
	s21 =	simm.s32 $0x0  }
0x7: {  	s4 =	sand.u32 $0x1, s4;
	s6 =	sshll.u32 s6, $0x9;
	[smem:$0x7FF] =	sst s3  }
0x8: {  	s5 =	ssub.s32 $0x2, s4;
	s4 =	sshll.u32 s4, $0x8;
	_ =	strace $0x80000047  }
0x9: {  	s7 =	sshrl.u32 s5, $0x1;
	s4 =	sor.u32 s4, s6;
	s6 =	sadd.s32 $0x200, s1  }
0xa: {  	s16 =	ssub.s32 s5, s7;
	s25 =	sshrl.u32 s4, $0x3;
	s5 =	sadd.s32 $0x100, s1  }
0xb: {  	s26 =	sshll.u32 s4, $0x7;
	s7 =	sadd.s32 $0x300, s1;
	s4 =	simm.s32 $0x200  }
0xc: {  	s0 =	sadd.s32 s0, s25;
	s8 =	sadd.s32 s2, s26;
	s28 =	smax.u32 s16, $0x1  }
0xd: {  	s16 =	simm.s32 $0x1;
	s2 =	simm.s32 $0xF900;
	[dreg:$0x4] =	wrdreg s0  }
0xe: {  	v2 =	vlaneseq.u32;
	s9 =	sadd.s32 $0x1000, s8;
	s10 =	sadd.s32 $0x2000, s8;
	s11 =	sadd.s32 $0x3000, s8  }
0xf: {  	vm0 =	vmmov $0xffff;
	v1 =	vshrl.u32 v2, $0x3;
	s12 =	sadd.s32 $0x4000, s8;
	s13 =	sadd.s32 $0x5000, s8;
	s14 =	sadd.s32 $0x6000, s8  }
0x10: {  	v0 =	vand.u32 $0x7, v2;
	v2 =	vor.u32 $0x8, v2;
	v1 =	vmul.u32 $0x8, v1;
	s15 =	sadd.s32 $0x7000, s8;
	[dreg:$0x5] =	wrdreg s28;
	s0 =	simm.s32 $0xF100  }
.LBB2_1:
0x11: {  	s22 =	rddreg [dreg:$0x4];
	s26 =	simm.s32 $0x5  }
0x12: {  	[tilespmem:s3], [sflag:$0x5] =	stream.linear.gather [hbm4b:s22+s3], $0x100, $0x38;
	[tilespmem:$0x10100] =	vst v63  }
0x13: {  	_ =	swait.ge [sflag:s26], $0x100  }
0x14: {  	[sflag:s26] =	ssyncset.done $0x0  }
0x15: {  	[sflag:s26] =	ssyncadd.s32 $0xFFFFFF00  }
0x16: {  	v3 =	vld [tilespmem:$0x0];
	_ =	sdelay $0x4  }
0x17: {  	v4 =	vshll.u32 v3, $0x3  }
0x18: {  	v3 =	vand.u32 $0x7, v3;
	v4 =	vand.u32 $0xFFFFFFC0, v4  }
0x19: {  	v3 =	vor.u32 v3, v4  }
0x1a: {  	v4 =	vperm.xlane v3, v0;
	_ =	sdelay $0x1  }
0x1b: {  	v4 =	vadd.s32 v1, v4;
	_ =	sdelay $0x3  }
0x1c: {  	s28 =	simm.s32 $0x100  }
0x1d: {  	[tilespmem:s28], [sflag:$0x1] =	stream.indirect_vreg.gather [hbm4b:s1+s3], $0x80, v4, vm0, $0xb8;
	[tilespmem:$0x10100] =	vst v63  }
0x1e: {  	s23 =	simm.s32 $0x900;
	v3 =	vperm.xlane v3, v2  }
0x1f: {  	[tilespmem:s23], [sflag:$0x1] =	stream.indirect_vreg.gather [hbm4b:s5+s3], $0x80, v4, vm0, $0xb8;
	[tilespmem:$0x10100] =	vst v63  }
0x20: {  	s24 =	simm.s32 $0x1100;
	v3 =	vadd.s32 v1, v3  }
0x21: {  	[tilespmem:s24], [sflag:$0x1] =	stream.indirect_vreg.gather [hbm4b:s6+s3], $0x80, v4, vm0, $0xb8;
	[tilespmem:$0x10100] =	vst v63  }
0x22: {  	s25 =	simm.s32 $0x1900  }
0x23: {  	[tilespmem:s25], [sflag:$0x1] =	stream.indirect_vreg.gather [hbm4b:s7+s3], $0x80, v4, vm0, $0xb8;
	[tilespmem:$0x10100] =	vst v63  }
0x24: {  	s26 =	simm.s32 $0x2100  }
0x25: {  	[tilespmem:s26], [sflag:$0x1] =	stream.indirect_vreg.gather [hbm4b:s1+s3], $0x80, v3, vm0, $0xb8;
	[tilespmem:$0x10100] =	vst v63  }
0x26: {  	s28 =	simm.s32 $0x2900  }
0x27: {  	[tilespmem:s28], [sflag:$0x1] =	stream.indirect_vreg.gather [hbm4b:s5+s3], $0x80, v3, vm0, $0xb8;
	[tilespmem:$0x10100] =	vst v63  }
0x28: {  	s23 =	simm.s32 $0x3100  }
0x29: {  	[tilespmem:s23], [sflag:$0x1] =	stream.indirect_vreg.gather [hbm4b:s6+s3], $0x80, v3, vm0, $0xb8;
	[tilespmem:$0x10100] =	vst v63  }
0x2a: {  	s24 =	simm.s32 $0x3900  }
0x2b: {  	[tilespmem:s24], [sflag:$0x1] =	stream.indirect_vreg.gather [hbm4b:s7+s3], $0x80, v3, vm0, $0xb8;
	[tilespmem:$0x10100] =	vst v63  }
0x2c: {  	v3 =	vld [tilespmem:$0x10];
	_ =	sdelay $0x4  }
0x2d: {  	v61 =	vshll.u32 v3, $0x3  }
0x2e: {  	v3 =	vand.u32 $0x7, v3;
	v4 =	vand.u32 $0xFFFFFFC0, v61  }
0x2f: {  	v3 =	vor.u32 v3, v4  }
0x30: {  	v4 =	vperm.xlane v3, v0;
	_ =	sdelay $0x1  }
0x31: {  	v4 =	vadd.s32 v1, v4;
	_ =	sdelay $0x3  }
0x32: {  	s25 =	simm.s32 $0x4100  }
0x33: {  	[tilespmem:s25], [sflag:$0x1] =	stream.indirect_vreg.gather [hbm4b:s1+s3], $0x80, v4, vm0, $0xb8;
	[tilespmem:$0x10100] =	vst v63  }
0x34: {  	s26 =	simm.s32 $0x4900;
	v3 =	vperm.xlane v3, v2  }
0x35: {  	[tilespmem:s26], [sflag:$0x1] =	stream.indirect_vreg.gather [hbm4b:s5+s3], $0x80, v4, vm0, $0xb8;
	[tilespmem:$0x10100] =	vst v63  }
0x36: {  	s28 =	simm.s32 $0x5100;
	v3 =	vadd.s32 v1, v3  }
0x37: {  	[tilespmem:s28], [sflag:$0x1] =	stream.indirect_vreg.gather [hbm4b:s6+s3], $0x80, v4, vm0, $0xb8;
	[tilespmem:$0x10100] =	vst v63  }
0x38: {  	s23 =	simm.s32 $0x5900  }
0x39: {  	[tilespmem:s23], [sflag:$0x1] =	stream.indirect_vreg.gather [hbm4b:s7+s3], $0x80, v4, vm0, $0xb8;
	[tilespmem:$0x10100] =	vst v63  }
0x3a: {  	s24 =	simm.s32 $0x6100  }
0x3b: {  	[tilespmem:s24], [sflag:$0x1] =	stream.indirect_vreg.gather [hbm4b:s1+s3], $0x80, v3, vm0, $0xb8;
	[tilespmem:$0x10100] =	vst v63  }
0x3c: {  	s25 =	simm.s32 $0x6900  }
0x3d: {  	[tilespmem:s25], [sflag:$0x1] =	stream.indirect_vreg.gather [hbm4b:s5+s3], $0x80, v3, vm0, $0xb8;
	[tilespmem:$0x10100] =	vst v63  }
0x3e: {  	s26 =	simm.s32 $0x7100  }
0x3f: {  	[tilespmem:s26], [sflag:$0x1] =	stream.indirect_vreg.gather [hbm4b:s6+s3], $0x80, v3, vm0, $0xb8;
	[tilespmem:$0x10100] =	vst v63  }
0x40: {  	s28 =	simm.s32 $0x7900  }
0x41: {  	[tilespmem:s28], [sflag:$0x1] =	stream.indirect_vreg.gather [hbm4b:s7+s3], $0x80, v3, vm0, $0xb8;
	[tilespmem:$0x10100] =	vst v63  }
0x42: {  	_ =	swait.ge [sflag:s16], $0x8000  }
0x43: {  	[sflag:s16] =	ssyncset.done $0x0  }
0x44: {  	[sflag:s16] =	ssyncadd.s32 $0xFFFF8000  }
0x45: {  	v3 =	vld [tilespmem:$0x20];
	_ =	sdelay $0x4  }
0x46: {  	v62 =	vshll.u32 v3, $0x3  }
0x47: {  	v3 =	vand.u32 $0x7, v3;
	v4 =	vand.u32 $0xFFFFFFC0, v62  }
0x48: {  	v3 =	vor.u32 v3, v4  }
0x49: {  	v4 =	vperm.xlane v3, v0;
	_ =	sdelay $0x1  }
0x4a: {  	v4 =	vadd.s32 v1, v4;
	_ =	sdelay $0x3  }
0x4b: {  	s23 =	simm.s32 $0x8100  }
0x4c: {  	[tilespmem:s23], [sflag:$0x2] =	stream.indirect_vreg.gather [hbm4b:s1+s3], $0x80, v4, vm0, $0xb8;
	[tilespmem:$0x10100] =	vst v63  }
0x4d: {  	s24 =	simm.s32 $0x8900;
	v3 =	vperm.xlane v3, v2  }
0x4e: {  	[tilespmem:s24], [sflag:$0x2] =	stream.indirect_vreg.gather [hbm4b:s5+s3], $0x80, v4, vm0, $0xb8;
	[tilespmem:$0x10100] =	vst v63  }
0x4f: {  	s25 =	simm.s32 $0x9100;
	v3 =	vadd.s32 v1, v3  }
0x50: {  	[tilespmem:s25], [sflag:$0x2] =	stream.indirect_vreg.gather [hbm4b:s6+s3], $0x80, v4, vm0, $0xb8;
	[tilespmem:$0x10100] =	vst v63  }
0x51: {  	s26 =	simm.s32 $0x9900  }
0x52: {  	[tilespmem:s26], [sflag:$0x2] =	stream.indirect_vreg.gather [hbm4b:s7+s3], $0x80, v4, vm0, $0xb8;
	[tilespmem:$0x10100] =	vst v63  }
0x53: {  	s28 =	simm.s32 $0xA100  }
0x54: {  	[tilespmem:s28], [sflag:$0x2] =	stream.indirect_vreg.gather [hbm4b:s1+s3], $0x80, v3, vm0, $0xb8;
	[tilespmem:$0x10100] =	vst v63  }
0x55: {  	s23 =	simm.s32 $0xA900  }
0x56: {  	[tilespmem:s23], [sflag:$0x2] =	stream.indirect_vreg.gather [hbm4b:s5+s3], $0x80, v3, vm0, $0xb8;
	[tilespmem:$0x10100] =	vst v63  }
0x57: {  	s24 =	simm.s32 $0xB100  }
0x58: {  	[tilespmem:s24], [sflag:$0x2] =	stream.indirect_vreg.gather [hbm4b:s6+s3], $0x80, v3, vm0, $0xb8;
	[tilespmem:$0x10100] =	vst v63  }
0x59: {  	s25 =	simm.s32 $0xB900  }
0x5a: {  	[tilespmem:s25], [sflag:$0x2] =	stream.indirect_vreg.gather [hbm4b:s7+s3], $0x80, v3, vm0, $0xb8;
	[tilespmem:$0x10100] =	vst v63  }
0x5b: {  	v3 =	vld [tilespmem:$0x30];
	_ =	sdelay $0x4  }
0x5c: {  	v63 =	vshll.u32 v3, $0x3  }
0x5d: {  	v3 =	vand.u32 $0x7, v3;
	v4 =	vand.u32 $0xFFFFFFC0, v63  }
0x5e: {  	v3 =	vor.u32 v3, v4  }
0x5f: {  	v4 =	vperm.xlane v3, v0;
	_ =	sdelay $0x1  }
0x60: {  	v4 =	vadd.s32 v1, v4;
	_ =	sdelay $0x3  }
0x61: {  	s26 =	simm.s32 $0xC100  }
0x62: {  	[tilespmem:s26], [sflag:$0x2] =	stream.indirect_vreg.gather [hbm4b:s1+s3], $0x80, v4, vm0, $0xb8;
	[tilespmem:$0x10100] =	vst v63  }
0x63: {  	s28 =	simm.s32 $0xC900;
	v3 =	vperm.xlane v3, v2  }
0x64: {  	[tilespmem:s28], [sflag:$0x2] =	stream.indirect_vreg.gather [hbm4b:s5+s3], $0x80, v4, vm0, $0xb8;
	[tilespmem:$0x10100] =	vst v63  }
0x65: {  	s23 =	simm.s32 $0xD100;
	v3 =	vadd.s32 v1, v3  }
0x66: {  	[tilespmem:s23], [sflag:$0x2] =	stream.indirect_vreg.gather [hbm4b:s6+s3], $0x80, v4, vm0, $0xb8;
	[tilespmem:$0x10100] =	vst v63  }
0x67: {  	_ = 	snop  }
0x68: {  	[tilespmem:s29], [sflag:$0x2] =	stream.indirect_vreg.gather [hbm4b:s7+s3], $0x80, v4, vm0, $0xb8;
	[tilespmem:$0x10100] =	vst v63  }
0x69: {  	_ = 	snop  }
0x6a: {  	[tilespmem:s30], [sflag:$0x2] =	stream.indirect_vreg.gather [hbm4b:s1+s3], $0x80, v3, vm0, $0xb8;
	[tilespmem:$0x10100] =	vst v63  }
0x6b: {  	_ = 	snop  }
0x6c: {  	[tilespmem:s31], [sflag:$0x2] =	stream.indirect_vreg.gather [hbm4b:s5+s3], $0x80, v3, vm0, $0xb8;
	[tilespmem:$0x10100] =	vst v63  }
0x6d: {  	_ = 	snop  }
0x6e: {  	[tilespmem:s0], [sflag:$0x2] =	stream.indirect_vreg.gather [hbm4b:s6+s3], $0x80, v3, vm0, $0xb8;
	[tilespmem:$0x10100] =	vst v63  }
0x6f: {  	_ = 	snop  }
0x70: {  	[tilespmem:s2], [sflag:$0x2] =	stream.indirect_vreg.gather [hbm4b:s7+s3], $0x80, v3, vm0, $0xb8;
	[tilespmem:$0x10100] =	vst v63  }
0x71: {  	s24 =	simm.s32 $0x100  }
0x72: {  	[hbm4b:s8+s4] =	stream.strided.scatter [tilespmem:s24], [sflag:$0x3], $0x400, s17, s4, $0x38;
	[tilespmem:$0x10100] =	vst v63  }
0x73: {  	s25 =	simm.s32 $0x500;
	s23 =	sadd.s32 $0x40, s8  }
0x74: {  	[hbm4b:s23+s4] =	stream.strided.scatter [tilespmem:s25], [sflag:$0x3], $0x400, s17, s4, $0x38;
	[tilespmem:$0x10100] =	vst v63  }
0x75: {  	s26 =	simm.s32 $0x900;
	s28 =	sadd.s32 $0x80, s8  }
0x76: {  	[hbm4b:s28+s4] =	stream.strided.scatter [tilespmem:s26], [sflag:$0x3], $0x400, s17, s4, $0x38;
	[tilespmem:$0x10100] =	vst v63  }
0x77: {  	s24 =	simm.s32 $0xD00;
	s25 =	sadd.s32 $0xC0, s8  }
0x78: {  	[hbm4b:s25+s4] =	stream.strided.scatter [tilespmem:s24], [sflag:$0x3], $0x400, s17, s4, $0x38;
	[tilespmem:$0x10100] =	vst v63  }
0x79: {  	s26 =	simm.s32 $0x1100;
	s28 =	sadd.s32 $0x100, s8  }
0x7a: {  	[hbm4b:s28+s4] =	stream.strided.scatter [tilespmem:s26], [sflag:$0x3], $0x400, s17, s4, $0x38;
	[tilespmem:$0x10100] =	vst v63  }
0x7b: {  	s22 =	simm.s32 $0x2000;
	s24 =	simm.s32 $0x1500;
	s25 =	sadd.s32 $0x140, s8  }
0x7c: {  	[hbm4b:s25+s4] =	stream.strided.scatter [tilespmem:s24], [sflag:$0x3], $0x400, s17, s4, $0x38;
	[tilespmem:$0x10100] =	vst v63  }
0x7d: {  	s23 =	sadd.s32 $0x400, s8;
	s26 =	simm.s32 $0x1900;
	s28 =	sadd.s32 $0x180, s8  }
0x7e: {  	[hbm4b:s28+s4] =	stream.strided.scatter [tilespmem:s26], [sflag:$0x3], $0x400, s17, s4, $0x38;
	[tilespmem:$0x10100] =	vst v63  }
0x7f: {  	s24 =	simm.s32 $0x10000;
	s25 =	simm.s32 $0x1D00;
	s26 =	sadd.s32 $0x1C0, s8  }
.LBB2_2:
0x80: {  	[hbm4b:s26+s4] =	stream.strided.scatter [tilespmem:s25], [sflag:$0x3], $0x400, s17, s4, $0x38;
	[tilespmem:$0x10100] =	vst v63  }
0x81: {  	s25 =	smov.u32 s22;
	s22 =	smov.u32 s24  }
0x82: {  	s28 =	sadd.s32 $0x8000, s24;
	s22 =	sshra.s32 s22, $0x2;
	s26 =	sadd.s32 $0x100, s25  }
0x83: {  	[hbm4b:s23+s4] =	stream.strided.scatter [tilespmem:s26], [sflag:$0x3], $0x400, s17, s4, $0x38;
	[tilespmem:$0x10100] =	vst v63  }
0x84: {  	p0 =	sne.s32 s24, $0x18000;
	s24 =	sadd.s32 $0x500, s25;
	s26 =	sadd.s32 $0x40, s23  }
0x85: {  	[hbm4b:s26+s4] =	stream.strided.scatter [tilespmem:s24], [sflag:$0x3], $0x400, s17, s4, $0x38;
	[tilespmem:$0x10100] =	vst v63  }
0x86: {  	s24 =	sadd.s32 $0x900, s25;
	s26 =	sadd.s32 $0x80, s23  }
0x87: {  	[hbm4b:s26+s4] =	stream.strided.scatter [tilespmem:s24], [sflag:$0x3], $0x400, s17, s4, $0x38;
	[tilespmem:$0x10100] =	vst v63  }
0x88: {  	s24 =	sadd.s32 $0xD00, s25;
	s26 =	sadd.s32 $0xC0, s23  }
0x89: {  	[hbm4b:s26+s4] =	stream.strided.scatter [tilespmem:s24], [sflag:$0x3], $0x400, s17, s4, $0x38;
	[tilespmem:$0x10100] =	vst v63  }
0x8a: {  	s24 =	sadd.s32 $0x1100, s25;
	s26 =	sadd.s32 $0x100, s23  }
0x8b: {  	[hbm4b:s26+s4] =	stream.strided.scatter [tilespmem:s24], [sflag:$0x3], $0x400, s17, s4, $0x38;
	[tilespmem:$0x10100] =	vst v63  }
.Ltmp0:
0x8c: {  	s24 =	sadd.s32 $0x1500, s25;
	s26 =	sadd.s32 $0x140, s23;
	(pc) =	sbr.rel @p0 .LBB2_2-.Ltmp0, $4  }
0x8d: {  	[hbm4b:s26+s4] =	stream.strided.scatter [tilespmem:s24], [sflag:$0x3], $0x400, s17, s4, $0x38;
	[tilespmem:$0x10100] =	vst v63  }
0x8e: {  	s24 =	sadd.s32 $0x1900, s25;
	s26 =	sadd.s32 $0x180, s23;
	s25 =	sadd.s32 $0x1D00, s25  }
0x8f: {  	[hbm4b:s26+s4] =	stream.strided.scatter [tilespmem:s24], [sflag:$0x3], $0x400, s17, s4, $0x38;
	[tilespmem:$0x10100] =	vst v63  }
0x90: {  	s26 =	sadd.s32 $0x1C0, s23;
	s23 =	sadd.s32 $0x400, s23;
	s24 =	smov.u32 s28  }
0x91: {  	[hbm4b:s26+s4] =	stream.strided.scatter [tilespmem:s25], [sflag:$0x3], $0x400, s17, s4, $0x38;
	[tilespmem:$0x10100] =	vst v63  }
0x92: {  	s24 =	sadd.s32 $0x100, s22  }
0x93: {  	[hbm4b:s23+s4] =	stream.strided.scatter [tilespmem:s24], [sflag:$0x3], $0x400, s17, s4, $0x38;
	[tilespmem:$0x10100] =	vst v63  }
0x94: {  	s26 =	sadd.s32 $0x500, s22;
	s28 =	sadd.s32 $0x40, s23  }
0x95: {  	[hbm4b:s28+s4] =	stream.strided.scatter [tilespmem:s26], [sflag:$0x3], $0x400, s17, s4, $0x38;
	[tilespmem:$0x10100] =	vst v63  }
0x96: {  	s26 =	sadd.s32 $0x900, s22;
	s28 =	sadd.s32 $0x80, s23  }
0x97: {  	[hbm4b:s28+s4] =	stream.strided.scatter [tilespmem:s26], [sflag:$0x3], $0x400, s17, s4, $0x38;
	[tilespmem:$0x10100] =	vst v63  }
0x98: {  	s26 =	sadd.s32 $0xD00, s22;
	s28 =	sadd.s32 $0xC0, s23  }
0x99: {  	[hbm4b:s28+s4] =	stream.strided.scatter [tilespmem:s26], [sflag:$0x3], $0x400, s17, s4, $0x38;
	[tilespmem:$0x10100] =	vst v63  }
0x9a: {  	s26 =	sadd.s32 $0x1100, s22;
	s28 =	sadd.s32 $0x100, s23  }
0x9b: {  	[hbm4b:s28+s4] =	stream.strided.scatter [tilespmem:s26], [sflag:$0x3], $0x400, s17, s4, $0x38;
	[tilespmem:$0x10100] =	vst v63  }
0x9c: {  	s26 =	sadd.s32 $0x1500, s22;
	s28 =	sadd.s32 $0x140, s23  }
0x9d: {  	[hbm4b:s28+s4] =	stream.strided.scatter [tilespmem:s26], [sflag:$0x3], $0x400, s17, s4, $0x38;
	[tilespmem:$0x10100] =	vst v63  }
0x9e: {  	s26 =	sadd.s32 $0x1900, s22;
	s28 =	sadd.s32 $0x180, s23  }
0x9f: {  	[hbm4b:s28+s4] =	stream.strided.scatter [tilespmem:s26], [sflag:$0x3], $0x400, s17, s4, $0x38;
	[tilespmem:$0x10100] =	vst v63  }
0xa0: {  	s26 =	sadd.s32 $0x1D00, s22;
	s28 =	sadd.s32 $0x1C0, s23  }
0xa1: {  	[hbm4b:s28+s4] =	stream.strided.scatter [tilespmem:s26], [sflag:$0x3], $0x400, s17, s4, $0x38;
	[tilespmem:$0x10100] =	vst v63  }
0xa2: {  	_ =	swait.ge [sflag:s18], $0x8000  }
0xa3: {  	[sflag:s18] =	ssyncset.done $0x0  }
0xa4: {  	[sflag:s18] =	ssyncadd.s32 $0xFFFF8000  }
0xa5: {  	_ =	swait.ge [sflag:s19], $0x8000  }
0xa6: {  	[sflag:s19] =	ssyncset.done $0x0  }
0xa7: {  	[sflag:s19] =	ssyncadd.s32 $0xFFFF8000  }
0xa8: {  	v3 =	vld [tilespmem:$0x40];
	_ =	sdelay $0x4  }
0xa9: {  	v4 =	vshll.u32 v3, $0x3  }
0xaa: {  	v3 =	vand.u32 $0x7, v3;
	v4 =	vand.u32 $0xFFFFFFC0, v4  }
0xab: {  	v3 =	vor.u32 v3, v4  }
0xac: {  	v4 =	vperm.xlane v3, v0;
	_ =	sdelay $0x1  }
0xad: {  	v4 =	vadd.s32 v1, v4;
	_ =	sdelay $0x3  }
0xae: {  	s24 =	simm.s32 $0x100;
	s22 =	simm.s32 $0x0  }
0xaf: {  	[tilespmem:s24], [sflag:$0x1] =	stream.indirect_vreg.gather [hbm4b:s1+s22], $0x80, v4, vm0, $0xb8;
	[tilespmem:$0x10100] =	vst v63  }
0xb0: {  	s25 =	simm.s32 $0x900;
	v3 =	vperm.xlane v3, v2  }
0xb1: {  	[tilespmem:s25], [sflag:$0x1] =	stream.indirect_vreg.gather [hbm4b:s5+s22], $0x80, v4, vm0, $0xb8;
	[tilespmem:$0x10100] =	vst v63  }
0xb2: {  	s26 =	simm.s32 $0x1100;
	v3 =	vadd.s32 v1, v3  }
0xb3: {  	[tilespmem:s26], [sflag:$0x1] =	stream.indirect_vreg.gather [hbm4b:s6+s22], $0x80, v4, vm0, $0xb8;
	[tilespmem:$0x10100] =	vst v63  }
0xb4: {  	s28 =	simm.s32 $0x1900  }
0xb5: {  	[tilespmem:s28], [sflag:$0x1] =	stream.indirect_vreg.gather [hbm4b:s7+s22], $0x80, v4, vm0, $0xb8;
	[tilespmem:$0x10100] =	vst v63  }
0xb6: {  	s24 =	simm.s32 $0x2100  }
0xb7: {  	[tilespmem:s24], [sflag:$0x1] =	stream.indirect_vreg.gather [hbm4b:s1+s22], $0x80, v3, vm0, $0xb8;
	[tilespmem:$0x10100] =	vst v63  }
0xb8: {  	s25 =	simm.s32 $0x2900  }
0xb9: {  	[tilespmem:s25], [sflag:$0x1] =	stream.indirect_vreg.gather [hbm4b:s5+s22], $0x80, v3, vm0, $0xb8;
	[tilespmem:$0x10100] =	vst v63  }
0xba: {  	s26 =	simm.s32 $0x3100  }
0xbb: {  	[tilespmem:s26], [sflag:$0x1] =	stream.indirect_vreg.gather [hbm4b:s6+s22], $0x80, v3, vm0, $0xb8;
	[tilespmem:$0x10100] =	vst v63  }
0xbc: {  	s28 =	simm.s32 $0x3900  }
0xbd: {  	[tilespmem:s28], [sflag:$0x1] =	stream.indirect_vreg.gather [hbm4b:s7+s22], $0x80, v3, vm0, $0xb8;
	[tilespmem:$0x10100] =	vst v63  }
0xbe: {  	v3 =	vld [tilespmem:$0x50];
	_ =	sdelay $0x4  }
0xbf: {  	v63 =	vshll.u32 v3, $0x3  }
0xc0: {  	v3 =	vand.u32 $0x7, v3;
	v4 =	vand.u32 $0xFFFFFFC0, v63  }
0xc1: {  	v3 =	vor.u32 v3, v4  }
0xc2: {  	v4 =	vperm.xlane v3, v0;
	_ =	sdelay $0x1  }
0xc3: {  	v4 =	vadd.s32 v1, v4;
	_ =	sdelay $0x3  }
0xc4: {  	s24 =	simm.s32 $0x4100  }
0xc5: {  	[tilespmem:s24], [sflag:$0x1] =	stream.indirect_vreg.gather [hbm4b:s1+s22], $0x80, v4, vm0, $0xb8;
	[tilespmem:$0x10100] =	vst v63  }
0xc6: {  	s25 =	simm.s32 $0x4900;
	v3 =	vperm.xlane v3, v2  }
0xc7: {  	[tilespmem:s25], [sflag:$0x1] =	stream.indirect_vreg.gather [hbm4b:s5+s22], $0x80, v4, vm0, $0xb8;
	[tilespmem:$0x10100] =	vst v63  }
0xc8: {  	s26 =	simm.s32 $0x5100;
	v3 =	vadd.s32 v1, v3  }
0xc9: {  	[tilespmem:s26], [sflag:$0x1] =	stream.indirect_vreg.gather [hbm4b:s6+s22], $0x80, v4, vm0, $0xb8;
	[tilespmem:$0x10100] =	vst v63  }
0xca: {  	s28 =	simm.s32 $0x5900  }
0xcb: {  	[tilespmem:s28], [sflag:$0x1] =	stream.indirect_vreg.gather [hbm4b:s7+s22], $0x80, v4, vm0, $0xb8;
	[tilespmem:$0x10100] =	vst v63  }
0xcc: {  	s24 =	simm.s32 $0x6100  }
0xcd: {  	[tilespmem:s24], [sflag:$0x1] =	stream.indirect_vreg.gather [hbm4b:s1+s22], $0x80, v3, vm0, $0xb8;
	[tilespmem:$0x10100] =	vst v63  }
0xce: {  	s25 =	simm.s32 $0x6900  }
0xcf: {  	[tilespmem:s25], [sflag:$0x1] =	stream.indirect_vreg.gather [hbm4b:s5+s22], $0x80, v3, vm0, $0xb8;
	[tilespmem:$0x10100] =	vst v63  }
0xd0: {  	s26 =	simm.s32 $0x7100  }
0xd1: {  	[tilespmem:s26], [sflag:$0x1] =	stream.indirect_vreg.gather [hbm4b:s6+s22], $0x80, v3, vm0, $0xb8;
	[tilespmem:$0x10100] =	vst v63  }
0xd2: {  	s28 =	simm.s32 $0x7900  }
0xd3: {  	[tilespmem:s28], [sflag:$0x1] =	stream.indirect_vreg.gather [hbm4b:s7+s22], $0x80, v3, vm0, $0xb8;
	[tilespmem:$0x10100] =	vst v63  }
0xd4: {  	s23 =	simm.s32 $0x8100  }
0xd5: {  	[hbm4b:s9+s4] =	stream.strided.scatter [tilespmem:s23], [sflag:$0x4], $0x400, s17, s4, $0x38;
	[tilespmem:$0x10100] =	vst v63  }
0xd6: {  	s24 =	simm.s32 $0x8500;
	s25 =	sadd.s32 $0x40, s9  }
0xd7: {  	[hbm4b:s25+s4] =	stream.strided.scatter [tilespmem:s24], [sflag:$0x4], $0x400, s17, s4, $0x38;
	[tilespmem:$0x10100] =	vst v63  }
0xd8: {  	s26 =	simm.s32 $0x8900;
	s28 =	sadd.s32 $0x80, s9  }
0xd9: {  	[hbm4b:s28+s4] =	stream.strided.scatter [tilespmem:s26], [sflag:$0x4], $0x400, s17, s4, $0x38;
	[tilespmem:$0x10100] =	vst v63  }
0xda: {  	s24 =	simm.s32 $0x8D00;
	s25 =	sadd.s32 $0xC0, s9  }
0xdb: {  	[hbm4b:s25+s4] =	stream.strided.scatter [tilespmem:s24], [sflag:$0x4], $0x400, s17, s4, $0x38;
	[tilespmem:$0x10100] =	vst v63  }
0xdc: {  	s26 =	simm.s32 $0x9100;
	s28 =	sadd.s32 $0x100, s9  }
0xdd: {  	[hbm4b:s28+s4] =	stream.strided.scatter [tilespmem:s26], [sflag:$0x4], $0x400, s17, s4, $0x38;
	[tilespmem:$0x10100] =	vst v63  }
0xde: {  	s22 =	simm.s32 $0x2000;
	s24 =	simm.s32 $0x9500;
	s25 =	sadd.s32 $0x140, s9  }
0xdf: {  	[hbm4b:s25+s4] =	stream.strided.scatter [tilespmem:s24], [sflag:$0x4], $0x400, s17, s4, $0x38;
	[tilespmem:$0x10100] =	vst v63  }
0xe0: {  	s23 =	sadd.s32 $0x400, s9;
	s26 =	simm.s32 $0x9900;
	s28 =	sadd.s32 $0x180, s9  }
0xe1: {  	[hbm4b:s28+s4] =	stream.strided.scatter [tilespmem:s26], [sflag:$0x4], $0x400, s17, s4, $0x38;
	[tilespmem:$0x10100] =	vst v63  }
0xe2: {  	s24 =	simm.s32 $0x10000;
	s25 =	simm.s32 $0x9D00;
	s26 =	sadd.s32 $0x1C0, s9  }
.LBB2_4:
0xe3: {  	[hbm4b:s26+s4] =	stream.strided.scatter [tilespmem:s25], [sflag:$0x4], $0x400, s17, s4, $0x38;
	[tilespmem:$0x10100] =	vst v63  }
0xe4: {  	s25 =	smov.u32 s22;
	s22 =	smov.u32 s24  }
0xe5: {  	s28 =	sadd.s32 $0x8000, s24;
	s22 =	sshra.s32 s22, $0x2;
	s26 =	sadd.s32 $0x8100, s25  }
0xe6: {  	[hbm4b:s23+s4] =	stream.strided.scatter [tilespmem:s26], [sflag:$0x4], $0x400, s17, s4, $0x38;
	[tilespmem:$0x10100] =	vst v63  }
0xe7: {  	p0 =	sne.s32 s24, $0x18000;
	s24 =	sadd.s32 $0x8500, s25;
	s26 =	sadd.s32 $0x40, s23  }
0xe8: {  	[hbm4b:s26+s4] =	stream.strided.scatter [tilespmem:s24], [sflag:$0x4], $0x400, s17, s4, $0x38;
	[tilespmem:$0x10100] =	vst v63  }
0xe9: {  	s24 =	sadd.s32 $0x8900, s25;
	s26 =	sadd.s32 $0x80, s23  }
0xea: {  	[hbm4b:s26+s4] =	stream.strided.scatter [tilespmem:s24], [sflag:$0x4], $0x400, s17, s4, $0x38;
	[tilespmem:$0x10100] =	vst v63  }
0xeb: {  	s24 =	sadd.s32 $0x8D00, s25;
	s26 =	sadd.s32 $0xC0, s23  }
0xec: {  	[hbm4b:s26+s4] =	stream.strided.scatter [tilespmem:s24], [sflag:$0x4], $0x400, s17, s4, $0x38;
	[tilespmem:$0x10100] =	vst v63  }
0xed: {  	s24 =	sadd.s32 $0x9100, s25;
	s26 =	sadd.s32 $0x100, s23  }
0xee: {  	[hbm4b:s26+s4] =	stream.strided.scatter [tilespmem:s24], [sflag:$0x4], $0x400, s17, s4, $0x38;
	[tilespmem:$0x10100] =	vst v63  }
.Ltmp1:
0xef: {  	s24 =	sadd.s32 $0x9500, s25;
	s26 =	sadd.s32 $0x140, s23;
	(pc) =	sbr.rel @p0 .LBB2_4-.Ltmp1, $4  }
0xf0: {  	[hbm4b:s26+s4] =	stream.strided.scatter [tilespmem:s24], [sflag:$0x4], $0x400, s17, s4, $0x38;
	[tilespmem:$0x10100] =	vst v63  }
0xf1: {  	s24 =	sadd.s32 $0x9900, s25;
	s26 =	sadd.s32 $0x180, s23;
	s25 =	sadd.s32 $0x9D00, s25  }
0xf2: {  	[hbm4b:s26+s4] =	stream.strided.scatter [tilespmem:s24], [sflag:$0x4], $0x400, s17, s4, $0x38;
	[tilespmem:$0x10100] =	vst v63  }
0xf3: {  	s26 =	sadd.s32 $0x1C0, s23;
	s23 =	sadd.s32 $0x400, s23;
	s24 =	smov.u32 s28  }
0xf4: {  	[hbm4b:s26+s4] =	stream.strided.scatter [tilespmem:s25], [sflag:$0x4], $0x400, s17, s4, $0x38;
	[tilespmem:$0x10100] =	vst v63  }
0xf5: {  	s24 =	sadd.s32 $0x8100, s22  }
0xf6: {  	[hbm4b:s23+s4] =	stream.strided.scatter [tilespmem:s24], [sflag:$0x4], $0x400, s17, s4, $0x38;
	[tilespmem:$0x10100] =	vst v63  }
0xf7: {  	s26 =	sadd.s32 $0x8500, s22;
	s28 =	sadd.s32 $0x40, s23  }
0xf8: {  	[hbm4b:s28+s4] =	stream.strided.scatter [tilespmem:s26], [sflag:$0x4], $0x400, s17, s4, $0x38;
	[tilespmem:$0x10100] =	vst v63  }
0xf9: {  	s26 =	sadd.s32 $0x8900, s22;
	s28 =	sadd.s32 $0x80, s23  }
0xfa: {  	[hbm4b:s28+s4] =	stream.strided.scatter [tilespmem:s26], [sflag:$0x4], $0x400, s17, s4, $0x38;
	[tilespmem:$0x10100] =	vst v63  }
0xfb: {  	s26 =	sadd.s32 $0x8D00, s22;
	s28 =	sadd.s32 $0xC0, s23  }
0xfc: {  	[hbm4b:s28+s4] =	stream.strided.scatter [tilespmem:s26], [sflag:$0x4], $0x400, s17, s4, $0x38;
	[tilespmem:$0x10100] =	vst v63  }
0xfd: {  	s26 =	sadd.s32 $0x9100, s22;
	s28 =	sadd.s32 $0x100, s23  }
0xfe: {  	[hbm4b:s28+s4] =	stream.strided.scatter [tilespmem:s26], [sflag:$0x4], $0x400, s17, s4, $0x38;
	[tilespmem:$0x10100] =	vst v63  }
0xff: {  	s26 =	sadd.s32 $0x9500, s22;
	s28 =	sadd.s32 $0x140, s23  }
0x100: {  	[hbm4b:s28+s4] =	stream.strided.scatter [tilespmem:s26], [sflag:$0x4], $0x400, s17, s4, $0x38;
	[tilespmem:$0x10100] =	vst v63  }
0x101: {  	s25 =	sadd.s32 $0x9900, s22;
	s26 =	sadd.s32 $0x180, s23  }
0x102: {  	[hbm4b:s26+s4] =	stream.strided.scatter [tilespmem:s25], [sflag:$0x4], $0x400, s17, s4, $0x38;
	[tilespmem:$0x10100] =	vst v63  }
0x103: {  	s24 =	sadd.s32 $0x1C0, s23;
	s28 =	sadd.s32 $0x9D00, s22  }
0x104: {  	[hbm4b:s24+s4] =	stream.strided.scatter [tilespmem:s28], [sflag:$0x4], $0x400, s17, s4, $0x38;
	[tilespmem:$0x10100] =	vst v63  }
0x105: {  	_ =	swait.ge [sflag:s16], $0x8000  }
0x106: {  	[sflag:s16] =	ssyncset.done $0x0  }
0x107: {  	[sflag:s16] =	ssyncadd.s32 $0xFFFF8000  }
0x108: {  	_ =	swait.ge [sflag:s20], $0x8000  }
0x109: {  	[sflag:s20] =	ssyncset.done $0x0  }
0x10a: {  	[sflag:s20] =	ssyncadd.s32 $0xFFFF8000  }
0x10b: {  	v3 =	vld [tilespmem:$0x60];
	_ =	sdelay $0x4  }
0x10c: {  	v4 =	vshll.u32 v3, $0x3  }
0x10d: {  	v3 =	vand.u32 $0x7, v3;
	v4 =	vand.u32 $0xFFFFFFC0, v4  }
0x10e: {  	v3 =	vor.u32 v3, v4  }
0x10f: {  	v4 =	vperm.xlane v3, v0;
	_ =	sdelay $0x1  }
0x110: {  	v4 =	vadd.s32 v1, v4;
	_ =	sdelay $0x3  }
0x111: {  	s22 =	simm.s32 $0x0;
	s25 =	simm.s32 $0x8100  }
0x112: {  	[tilespmem:s25], [sflag:$0x2] =	stream.indirect_vreg.gather [hbm4b:s1+s22], $0x80, v4, vm0, $0xb8;
	[tilespmem:$0x10100] =	vst v63  }
0x113: {  	s26 =	simm.s32 $0x8900;
	v3 =	vperm.xlane v3, v2  }
0x114: {  	[tilespmem:s26], [sflag:$0x2] =	stream.indirect_vreg.gather [hbm4b:s5+s22], $0x80, v4, vm0, $0xb8;
	[tilespmem:$0x10100] =	vst v63  }
0x115: {  	s28 =	simm.s32 $0x9100;
	v3 =	vadd.s32 v1, v3  }
0x116: {  	[tilespmem:s28], [sflag:$0x2] =	stream.indirect_vreg.gather [hbm4b:s6+s22], $0x80, v4, vm0, $0xb8;
	[tilespmem:$0x10100] =	vst v63  }
0x117: {  	s24 =	simm.s32 $0x9900  }
0x118: {  	[tilespmem:s24], [sflag:$0x2] =	stream.indirect_vreg.gather [hbm4b:s7+s22], $0x80, v4, vm0, $0xb8;
	[tilespmem:$0x10100] =	vst v63  }
0x119: {  	s25 =	simm.s32 $0xA100  }
0x11a: {  	[tilespmem:s25], [sflag:$0x2] =	stream.indirect_vreg.gather [hbm4b:s1+s22], $0x80, v3, vm0, $0xb8;
	[tilespmem:$0x10100] =	vst v63  }
0x11b: {  	s26 =	simm.s32 $0xA900  }
0x11c: {  	[tilespmem:s26], [sflag:$0x2] =	stream.indirect_vreg.gather [hbm4b:s5+s22], $0x80, v3, vm0, $0xb8;
	[tilespmem:$0x10100] =	vst v63  }
0x11d: {  	s28 =	simm.s32 $0xB100  }
0x11e: {  	[tilespmem:s28], [sflag:$0x2] =	stream.indirect_vreg.gather [hbm4b:s6+s22], $0x80, v3, vm0, $0xb8;
	[tilespmem:$0x10100] =	vst v63  }
0x11f: {  	s24 =	simm.s32 $0xB900  }
0x120: {  	[tilespmem:s24], [sflag:$0x2] =	stream.indirect_vreg.gather [hbm4b:s7+s22], $0x80, v3, vm0, $0xb8;
	[tilespmem:$0x10100] =	vst v63  }
0x121: {  	v3 =	vld [tilespmem:$0x70];
	_ =	sdelay $0x4  }
0x122: {  	v63 =	vshll.u32 v3, $0x3  }
0x123: {  	v3 =	vand.u32 $0x7, v3;
	v4 =	vand.u32 $0xFFFFFFC0, v63  }
0x124: {  	v3 =	vor.u32 v3, v4  }
0x125: {  	v4 =	vperm.xlane v3, v0;
	_ =	sdelay $0x1  }
0x126: {  	v4 =	vadd.s32 v1, v4;
	_ =	sdelay $0x3  }
0x127: {  	s25 =	simm.s32 $0xC100  }
0x128: {  	[tilespmem:s25], [sflag:$0x2] =	stream.indirect_vreg.gather [hbm4b:s1+s22], $0x80, v4, vm0, $0xb8;
	[tilespmem:$0x10100] =	vst v63  }
0x129: {  	s26 =	simm.s32 $0xC900;
	v3 =	vperm.xlane v3, v2  }
0x12a: {  	[tilespmem:s26], [sflag:$0x2] =	stream.indirect_vreg.gather [hbm4b:s5+s22], $0x80, v4, vm0, $0xb8;
	[tilespmem:$0x10100] =	vst v63  }
0x12b: {  	s28 =	simm.s32 $0xD100;
	v3 =	vadd.s32 v1, v3  }
0x12c: {  	[tilespmem:s28], [sflag:$0x2] =	stream.indirect_vreg.gather [hbm4b:s6+s22], $0x80, v4, vm0, $0xb8;
	[tilespmem:$0x10100] =	vst v63  }
0x12d: {  	_ = 	snop  }
0x12e: {  	[tilespmem:s29], [sflag:$0x2] =	stream.indirect_vreg.gather [hbm4b:s7+s22], $0x80, v4, vm0, $0xb8;
	[tilespmem:$0x10100] =	vst v63  }
0x12f: {  	_ = 	snop  }
0x130: {  	[tilespmem:s30], [sflag:$0x2] =	stream.indirect_vreg.gather [hbm4b:s1+s22], $0x80, v3, vm0, $0xb8;
	[tilespmem:$0x10100] =	vst v63  }
0x131: {  	_ = 	snop  }
0x132: {  	[tilespmem:s31], [sflag:$0x2] =	stream.indirect_vreg.gather [hbm4b:s5+s22], $0x80, v3, vm0, $0xb8;
	[tilespmem:$0x10100] =	vst v63  }
0x133: {  	_ = 	snop  }
0x134: {  	[tilespmem:s0], [sflag:$0x2] =	stream.indirect_vreg.gather [hbm4b:s6+s22], $0x80, v3, vm0, $0xb8;
	[tilespmem:$0x10100] =	vst v63  }
0x135: {  	_ = 	snop  }
0x136: {  	[tilespmem:s2], [sflag:$0x2] =	stream.indirect_vreg.gather [hbm4b:s7+s22], $0x80, v3, vm0, $0xb8;
	[tilespmem:$0x10100] =	vst v63  }
0x137: {  	s23 =	simm.s32 $0x100  }
0x138: {  	[hbm4b:s10+s4] =	stream.strided.scatter [tilespmem:s23], [sflag:$0x3], $0x400, s17, s4, $0x38;
	[tilespmem:$0x10100] =	vst v63  }
0x139: {  	s24 =	simm.s32 $0x500;
	s25 =	sadd.s32 $0x40, s10  }
0x13a: {  	[hbm4b:s25+s4] =	stream.strided.scatter [tilespmem:s24], [sflag:$0x3], $0x400, s17, s4, $0x38;
	[tilespmem:$0x10100] =	vst v63  }
0x13b: {  	s26 =	simm.s32 $0x900;
	s28 =	sadd.s32 $0x80, s10  }
0x13c: {  	[hbm4b:s28+s4] =	stream.strided.scatter [tilespmem:s26], [sflag:$0x3], $0x400, s17, s4, $0x38;
	[tilespmem:$0x10100] =	vst v63  }
0x13d: {  	s24 =	simm.s32 $0xD00;
	s25 =	sadd.s32 $0xC0, s10  }
0x13e: {  	[hbm4b:s25+s4] =	stream.strided.scatter [tilespmem:s24], [sflag:$0x3], $0x400, s17, s4, $0x38;
	[tilespmem:$0x10100] =	vst v63  }
0x13f: {  	s26 =	simm.s32 $0x1100;
	s28 =	sadd.s32 $0x100, s10  }
0x140: {  	[hbm4b:s28+s4] =	stream.strided.scatter [tilespmem:s26], [sflag:$0x3], $0x400, s17, s4, $0x38;
	[tilespmem:$0x10100] =	vst v63  }
0x141: {  	s22 =	simm.s32 $0x2000;
	s24 =	simm.s32 $0x1500;
	s25 =	sadd.s32 $0x140, s10  }
0x142: {  	[hbm4b:s25+s4] =	stream.strided.scatter [tilespmem:s24], [sflag:$0x3], $0x400, s17, s4, $0x38;
	[tilespmem:$0x10100] =	vst v63  }
0x143: {  	s23 =	sadd.s32 $0x400, s10;
	s26 =	simm.s32 $0x1900;
	s28 =	sadd.s32 $0x180, s10  }
0x144: {  	[hbm4b:s28+s4] =	stream.strided.scatter [tilespmem:s26], [sflag:$0x3], $0x400, s17, s4, $0x38;
	[tilespmem:$0x10100] =	vst v63  }
0x145: {  	s24 =	simm.s32 $0x10000;
	s25 =	simm.s32 $0x1D00;
	s26 =	sadd.s32 $0x1C0, s10  }
.LBB2_6:
0x146: {  	[hbm4b:s26+s4] =	stream.strided.scatter [tilespmem:s25], [sflag:$0x3], $0x400, s17, s4, $0x38;
	[tilespmem:$0x10100] =	vst v63  }
0x147: {  	s25 =	smov.u32 s22;
	s22 =	smov.u32 s24  }
0x148: {  	s28 =	sadd.s32 $0x8000, s24;
	s22 =	sshra.s32 s22, $0x2;
	s26 =	sadd.s32 $0x100, s25  }
0x149: {  	[hbm4b:s23+s4] =	stream.strided.scatter [tilespmem:s26], [sflag:$0x3], $0x400, s17, s4, $0x38;
	[tilespmem:$0x10100] =	vst v63  }
0x14a: {  	p0 =	sne.s32 s24, $0x18000;
	s24 =	sadd.s32 $0x500, s25;
	s26 =	sadd.s32 $0x40, s23  }
0x14b: {  	[hbm4b:s26+s4] =	stream.strided.scatter [tilespmem:s24], [sflag:$0x3], $0x400, s17, s4, $0x38;
	[tilespmem:$0x10100] =	vst v63  }
0x14c: {  	s24 =	sadd.s32 $0x900, s25;
	s26 =	sadd.s32 $0x80, s23  }
0x14d: {  	[hbm4b:s26+s4] =	stream.strided.scatter [tilespmem:s24], [sflag:$0x3], $0x400, s17, s4, $0x38;
	[tilespmem:$0x10100] =	vst v63  }
0x14e: {  	s24 =	sadd.s32 $0xD00, s25;
	s26 =	sadd.s32 $0xC0, s23  }
0x14f: {  	[hbm4b:s26+s4] =	stream.strided.scatter [tilespmem:s24], [sflag:$0x3], $0x400, s17, s4, $0x38;
	[tilespmem:$0x10100] =	vst v63  }
0x150: {  	s24 =	sadd.s32 $0x1100, s25;
	s26 =	sadd.s32 $0x100, s23  }
0x151: {  	[hbm4b:s26+s4] =	stream.strided.scatter [tilespmem:s24], [sflag:$0x3], $0x400, s17, s4, $0x38;
	[tilespmem:$0x10100] =	vst v63  }
.Ltmp2:
0x152: {  	s24 =	sadd.s32 $0x1500, s25;
	s26 =	sadd.s32 $0x140, s23;
	(pc) =	sbr.rel @p0 .LBB2_6-.Ltmp2, $4  }
0x153: {  	[hbm4b:s26+s4] =	stream.strided.scatter [tilespmem:s24], [sflag:$0x3], $0x400, s17, s4, $0x38;
	[tilespmem:$0x10100] =	vst v63  }
0x154: {  	s24 =	sadd.s32 $0x1900, s25;
	s26 =	sadd.s32 $0x180, s23;
	s25 =	sadd.s32 $0x1D00, s25  }
0x155: {  	[hbm4b:s26+s4] =	stream.strided.scatter [tilespmem:s24], [sflag:$0x3], $0x400, s17, s4, $0x38;
	[tilespmem:$0x10100] =	vst v63  }
0x156: {  	s26 =	sadd.s32 $0x1C0, s23;
	s23 =	sadd.s32 $0x400, s23;
	s24 =	smov.u32 s28  }
0x157: {  	[hbm4b:s26+s4] =	stream.strided.scatter [tilespmem:s25], [sflag:$0x3], $0x400, s17, s4, $0x38;
	[tilespmem:$0x10100] =	vst v63  }
0x158: {  	s24 =	sadd.s32 $0x100, s22  }
0x159: {  	[hbm4b:s23+s4] =	stream.strided.scatter [tilespmem:s24], [sflag:$0x3], $0x400, s17, s4, $0x38;
	[tilespmem:$0x10100] =	vst v63  }
0x15a: {  	s26 =	sadd.s32 $0x500, s22;
	s28 =	sadd.s32 $0x40, s23  }
0x15b: {  	[hbm4b:s28+s4] =	stream.strided.scatter [tilespmem:s26], [sflag:$0x3], $0x400, s17, s4, $0x38;
	[tilespmem:$0x10100] =	vst v63  }
0x15c: {  	s26 =	sadd.s32 $0x900, s22;
	s28 =	sadd.s32 $0x80, s23  }
0x15d: {  	[hbm4b:s28+s4] =	stream.strided.scatter [tilespmem:s26], [sflag:$0x3], $0x400, s17, s4, $0x38;
	[tilespmem:$0x10100] =	vst v63  }
0x15e: {  	s26 =	sadd.s32 $0xD00, s22;
	s28 =	sadd.s32 $0xC0, s23  }
0x15f: {  	[hbm4b:s28+s4] =	stream.strided.scatter [tilespmem:s26], [sflag:$0x3], $0x400, s17, s4, $0x38;
	[tilespmem:$0x10100] =	vst v63  }
0x160: {  	s26 =	sadd.s32 $0x1100, s22;
	s28 =	sadd.s32 $0x100, s23  }
0x161: {  	[hbm4b:s28+s4] =	stream.strided.scatter [tilespmem:s26], [sflag:$0x3], $0x400, s17, s4, $0x38;
	[tilespmem:$0x10100] =	vst v63  }
0x162: {  	s26 =	sadd.s32 $0x1500, s22;
	s28 =	sadd.s32 $0x140, s23  }
0x163: {  	[hbm4b:s28+s4] =	stream.strided.scatter [tilespmem:s26], [sflag:$0x3], $0x400, s17, s4, $0x38;
	[tilespmem:$0x10100] =	vst v63  }
0x164: {  	s26 =	sadd.s32 $0x1900, s22;
	s28 =	sadd.s32 $0x180, s23  }
0x165: {  	[hbm4b:s28+s4] =	stream.strided.scatter [tilespmem:s26], [sflag:$0x3], $0x400, s17, s4, $0x38;
	[tilespmem:$0x10100] =	vst v63  }
0x166: {  	s26 =	sadd.s32 $0x1D00, s22;
	s28 =	sadd.s32 $0x1C0, s23  }
0x167: {  	[hbm4b:s28+s4] =	stream.strided.scatter [tilespmem:s26], [sflag:$0x3], $0x400, s17, s4, $0x38;
	[tilespmem:$0x10100] =	vst v63  }
0x168: {  	_ =	swait.ge [sflag:s18], $0x8000  }
0x169: {  	[sflag:s18] =	ssyncset.done $0x0  }
0x16a: {  	[sflag:s18] =	ssyncadd.s32 $0xFFFF8000  }
0x16b: {  	_ =	swait.ge [sflag:s19], $0x8000  }
0x16c: {  	[sflag:s19] =	ssyncset.done $0x0  }
0x16d: {  	[sflag:s19] =	ssyncadd.s32 $0xFFFF8000  }
0x16e: {  	v3 =	vld [tilespmem:$0x80];
	_ =	sdelay $0x4  }
0x16f: {  	v4 =	vshll.u32 v3, $0x3  }
0x170: {  	v3 =	vand.u32 $0x7, v3;
	v4 =	vand.u32 $0xFFFFFFC0, v4  }
0x171: {  	v3 =	vor.u32 v3, v4  }
0x172: {  	v4 =	vperm.xlane v3, v0;
	_ =	sdelay $0x1  }
0x173: {  	v4 =	vadd.s32 v1, v4;
	_ =	sdelay $0x3  }
0x174: {  	s24 =	simm.s32 $0x100;
	s22 =	simm.s32 $0x0  }
0x175: {  	[tilespmem:s24], [sflag:$0x1] =	stream.indirect_vreg.gather [hbm4b:s1+s22], $0x80, v4, vm0, $0xb8;
	[tilespmem:$0x10100] =	vst v63  }
0x176: {  	s25 =	simm.s32 $0x900;
	v3 =	vperm.xlane v3, v2  }
0x177: {  	[tilespmem:s25], [sflag:$0x1] =	stream.indirect_vreg.gather [hbm4b:s5+s22], $0x80, v4, vm0, $0xb8;
	[tilespmem:$0x10100] =	vst v63  }
0x178: {  	s26 =	simm.s32 $0x1100;
	v3 =	vadd.s32 v1, v3  }
0x179: {  	[tilespmem:s26], [sflag:$0x1] =	stream.indirect_vreg.gather [hbm4b:s6+s22], $0x80, v4, vm0, $0xb8;
	[tilespmem:$0x10100] =	vst v63  }
0x17a: {  	s28 =	simm.s32 $0x1900  }
0x17b: {  	[tilespmem:s28], [sflag:$0x1] =	stream.indirect_vreg.gather [hbm4b:s7+s22], $0x80, v4, vm0, $0xb8;
	[tilespmem:$0x10100] =	vst v63  }
0x17c: {  	s24 =	simm.s32 $0x2100  }
0x17d: {  	[tilespmem:s24], [sflag:$0x1] =	stream.indirect_vreg.gather [hbm4b:s1+s22], $0x80, v3, vm0, $0xb8;
	[tilespmem:$0x10100] =	vst v63  }
0x17e: {  	s25 =	simm.s32 $0x2900  }
0x17f: {  	[tilespmem:s25], [sflag:$0x1] =	stream.indirect_vreg.gather [hbm4b:s5+s22], $0x80, v3, vm0, $0xb8;
	[tilespmem:$0x10100] =	vst v63  }
0x180: {  	s26 =	simm.s32 $0x3100  }
0x181: {  	[tilespmem:s26], [sflag:$0x1] =	stream.indirect_vreg.gather [hbm4b:s6+s22], $0x80, v3, vm0, $0xb8;
	[tilespmem:$0x10100] =	vst v63  }
0x182: {  	s28 =	simm.s32 $0x3900  }
0x183: {  	[tilespmem:s28], [sflag:$0x1] =	stream.indirect_vreg.gather [hbm4b:s7+s22], $0x80, v3, vm0, $0xb8;
	[tilespmem:$0x10100] =	vst v63  }
0x184: {  	v3 =	vld [tilespmem:$0x90];
	_ =	sdelay $0x4  }
0x185: {  	v63 =	vshll.u32 v3, $0x3  }
0x186: {  	v3 =	vand.u32 $0x7, v3;
	v4 =	vand.u32 $0xFFFFFFC0, v63  }
0x187: {  	v3 =	vor.u32 v3, v4  }
0x188: {  	v4 =	vperm.xlane v3, v0;
	_ =	sdelay $0x1  }
0x189: {  	v4 =	vadd.s32 v1, v4;
	_ =	sdelay $0x3  }
0x18a: {  	s24 =	simm.s32 $0x4100  }
0x18b: {  	[tilespmem:s24], [sflag:$0x1] =	stream.indirect_vreg.gather [hbm4b:s1+s22], $0x80, v4, vm0, $0xb8;
	[tilespmem:$0x10100] =	vst v63  }
0x18c: {  	s25 =	simm.s32 $0x4900;
	v3 =	vperm.xlane v3, v2  }
0x18d: {  	[tilespmem:s25], [sflag:$0x1] =	stream.indirect_vreg.gather [hbm4b:s5+s22], $0x80, v4, vm0, $0xb8;
	[tilespmem:$0x10100] =	vst v63  }
0x18e: {  	s26 =	simm.s32 $0x5100;
	v3 =	vadd.s32 v1, v3  }
0x18f: {  	[tilespmem:s26], [sflag:$0x1] =	stream.indirect_vreg.gather [hbm4b:s6+s22], $0x80, v4, vm0, $0xb8;
	[tilespmem:$0x10100] =	vst v63  }
0x190: {  	s28 =	simm.s32 $0x5900  }
0x191: {  	[tilespmem:s28], [sflag:$0x1] =	stream.indirect_vreg.gather [hbm4b:s7+s22], $0x80, v4, vm0, $0xb8;
	[tilespmem:$0x10100] =	vst v63  }
0x192: {  	s24 =	simm.s32 $0x6100  }
0x193: {  	[tilespmem:s24], [sflag:$0x1] =	stream.indirect_vreg.gather [hbm4b:s1+s22], $0x80, v3, vm0, $0xb8;
	[tilespmem:$0x10100] =	vst v63  }
0x194: {  	s25 =	simm.s32 $0x6900  }
0x195: {  	[tilespmem:s25], [sflag:$0x1] =	stream.indirect_vreg.gather [hbm4b:s5+s22], $0x80, v3, vm0, $0xb8;
	[tilespmem:$0x10100] =	vst v63  }
0x196: {  	s26 =	simm.s32 $0x7100  }
0x197: {  	[tilespmem:s26], [sflag:$0x1] =	stream.indirect_vreg.gather [hbm4b:s6+s22], $0x80, v3, vm0, $0xb8;
	[tilespmem:$0x10100] =	vst v63  }
0x198: {  	s28 =	simm.s32 $0x7900  }
0x199: {  	[tilespmem:s28], [sflag:$0x1] =	stream.indirect_vreg.gather [hbm4b:s7+s22], $0x80, v3, vm0, $0xb8;
	[tilespmem:$0x10100] =	vst v63  }
0x19a: {  	s23 =	simm.s32 $0x8100  }
0x19b: {  	[hbm4b:s11+s4] =	stream.strided.scatter [tilespmem:s23], [sflag:$0x4], $0x400, s17, s4, $0x38;
	[tilespmem:$0x10100] =	vst v63  }
0x19c: {  	s24 =	simm.s32 $0x8500;
	s25 =	sadd.s32 $0x40, s11  }
0x19d: {  	[hbm4b:s25+s4] =	stream.strided.scatter [tilespmem:s24], [sflag:$0x4], $0x400, s17, s4, $0x38;
	[tilespmem:$0x10100] =	vst v63  }
0x19e: {  	s26 =	simm.s32 $0x8900;
	s28 =	sadd.s32 $0x80, s11  }
0x19f: {  	[hbm4b:s28+s4] =	stream.strided.scatter [tilespmem:s26], [sflag:$0x4], $0x400, s17, s4, $0x38;
	[tilespmem:$0x10100] =	vst v63  }
0x1a0: {  	s24 =	simm.s32 $0x8D00;
	s25 =	sadd.s32 $0xC0, s11  }
0x1a1: {  	[hbm4b:s25+s4] =	stream.strided.scatter [tilespmem:s24], [sflag:$0x4], $0x400, s17, s4, $0x38;
	[tilespmem:$0x10100] =	vst v63  }
0x1a2: {  	s26 =	simm.s32 $0x9100;
	s28 =	sadd.s32 $0x100, s11  }
0x1a3: {  	[hbm4b:s28+s4] =	stream.strided.scatter [tilespmem:s26], [sflag:$0x4], $0x400, s17, s4, $0x38;
	[tilespmem:$0x10100] =	vst v63  }
0x1a4: {  	s22 =	simm.s32 $0x2000;
	s24 =	simm.s32 $0x9500;
	s25 =	sadd.s32 $0x140, s11  }
0x1a5: {  	[hbm4b:s25+s4] =	stream.strided.scatter [tilespmem:s24], [sflag:$0x4], $0x400, s17, s4, $0x38;
	[tilespmem:$0x10100] =	vst v63  }
0x1a6: {  	s23 =	sadd.s32 $0x400, s11;
	s26 =	simm.s32 $0x9900;
	s28 =	sadd.s32 $0x180, s11  }
0x1a7: {  	[hbm4b:s28+s4] =	stream.strided.scatter [tilespmem:s26], [sflag:$0x4], $0x400, s17, s4, $0x38;
	[tilespmem:$0x10100] =	vst v63  }
0x1a8: {  	s24 =	simm.s32 $0x10000;
	s25 =	simm.s32 $0x9D00;
	s26 =	sadd.s32 $0x1C0, s11  }
.LBB2_8:
0x1a9: {  	[hbm4b:s26+s4] =	stream.strided.scatter [tilespmem:s25], [sflag:$0x4], $0x400, s17, s4, $0x38;
	[tilespmem:$0x10100] =	vst v63  }
0x1aa: {  	s25 =	smov.u32 s22;
	s22 =	smov.u32 s24  }
0x1ab: {  	s28 =	sadd.s32 $0x8000, s24;
	s22 =	sshra.s32 s22, $0x2;
	s26 =	sadd.s32 $0x8100, s25  }
0x1ac: {  	[hbm4b:s23+s4] =	stream.strided.scatter [tilespmem:s26], [sflag:$0x4], $0x400, s17, s4, $0x38;
	[tilespmem:$0x10100] =	vst v63  }
0x1ad: {  	p0 =	sne.s32 s24, $0x18000;
	s24 =	sadd.s32 $0x8500, s25;
	s26 =	sadd.s32 $0x40, s23  }
0x1ae: {  	[hbm4b:s26+s4] =	stream.strided.scatter [tilespmem:s24], [sflag:$0x4], $0x400, s17, s4, $0x38;
	[tilespmem:$0x10100] =	vst v63  }
0x1af: {  	s24 =	sadd.s32 $0x8900, s25;
	s26 =	sadd.s32 $0x80, s23  }
0x1b0: {  	[hbm4b:s26+s4] =	stream.strided.scatter [tilespmem:s24], [sflag:$0x4], $0x400, s17, s4, $0x38;
	[tilespmem:$0x10100] =	vst v63  }
0x1b1: {  	s24 =	sadd.s32 $0x8D00, s25;
	s26 =	sadd.s32 $0xC0, s23  }
0x1b2: {  	[hbm4b:s26+s4] =	stream.strided.scatter [tilespmem:s24], [sflag:$0x4], $0x400, s17, s4, $0x38;
	[tilespmem:$0x10100] =	vst v63  }
0x1b3: {  	s24 =	sadd.s32 $0x9100, s25;
	s26 =	sadd.s32 $0x100, s23  }
0x1b4: {  	[hbm4b:s26+s4] =	stream.strided.scatter [tilespmem:s24], [sflag:$0x4], $0x400, s17, s4, $0x38;
	[tilespmem:$0x10100] =	vst v63  }
.Ltmp3:
0x1b5: {  	s24 =	sadd.s32 $0x9500, s25;
	s26 =	sadd.s32 $0x140, s23;
	(pc) =	sbr.rel @p0 .LBB2_8-.Ltmp3, $4  }
0x1b6: {  	[hbm4b:s26+s4] =	stream.strided.scatter [tilespmem:s24], [sflag:$0x4], $0x400, s17, s4, $0x38;
	[tilespmem:$0x10100] =	vst v63  }
0x1b7: {  	s24 =	sadd.s32 $0x9900, s25;
	s26 =	sadd.s32 $0x180, s23;
	s25 =	sadd.s32 $0x9D00, s25  }
0x1b8: {  	[hbm4b:s26+s4] =	stream.strided.scatter [tilespmem:s24], [sflag:$0x4], $0x400, s17, s4, $0x38;
	[tilespmem:$0x10100] =	vst v63  }
0x1b9: {  	s26 =	sadd.s32 $0x1C0, s23;
	s23 =	sadd.s32 $0x400, s23;
	s24 =	smov.u32 s28  }
0x1ba: {  	[hbm4b:s26+s4] =	stream.strided.scatter [tilespmem:s25], [sflag:$0x4], $0x400, s17, s4, $0x38;
	[tilespmem:$0x10100] =	vst v63  }
0x1bb: {  	s24 =	sadd.s32 $0x8100, s22  }
0x1bc: {  	[hbm4b:s23+s4] =	stream.strided.scatter [tilespmem:s24], [sflag:$0x4], $0x400, s17, s4, $0x38;
	[tilespmem:$0x10100] =	vst v63  }
0x1bd: {  	s26 =	sadd.s32 $0x8500, s22;
	s28 =	sadd.s32 $0x40, s23  }
0x1be: {  	[hbm4b:s28+s4] =	stream.strided.scatter [tilespmem:s26], [sflag:$0x4], $0x400, s17, s4, $0x38;
	[tilespmem:$0x10100] =	vst v63  }
0x1bf: {  	s26 =	sadd.s32 $0x8900, s22;
	s28 =	sadd.s32 $0x80, s23  }
0x1c0: {  	[hbm4b:s28+s4] =	stream.strided.scatter [tilespmem:s26], [sflag:$0x4], $0x400, s17, s4, $0x38;
	[tilespmem:$0x10100] =	vst v63  }
0x1c1: {  	s26 =	sadd.s32 $0x8D00, s22;
	s28 =	sadd.s32 $0xC0, s23  }
0x1c2: {  	[hbm4b:s28+s4] =	stream.strided.scatter [tilespmem:s26], [sflag:$0x4], $0x400, s17, s4, $0x38;
	[tilespmem:$0x10100] =	vst v63  }
0x1c3: {  	s26 =	sadd.s32 $0x9100, s22;
	s28 =	sadd.s32 $0x100, s23  }
0x1c4: {  	[hbm4b:s28+s4] =	stream.strided.scatter [tilespmem:s26], [sflag:$0x4], $0x400, s17, s4, $0x38;
	[tilespmem:$0x10100] =	vst v63  }
0x1c5: {  	s26 =	sadd.s32 $0x9500, s22;
	s28 =	sadd.s32 $0x140, s23  }
0x1c6: {  	[hbm4b:s28+s4] =	stream.strided.scatter [tilespmem:s26], [sflag:$0x4], $0x400, s17, s4, $0x38;
	[tilespmem:$0x10100] =	vst v63  }
0x1c7: {  	s25 =	sadd.s32 $0x9900, s22;
	s26 =	sadd.s32 $0x180, s23  }
0x1c8: {  	[hbm4b:s26+s4] =	stream.strided.scatter [tilespmem:s25], [sflag:$0x4], $0x400, s17, s4, $0x38;
	[tilespmem:$0x10100] =	vst v63  }
0x1c9: {  	s24 =	sadd.s32 $0x1C0, s23;
	s28 =	sadd.s32 $0x9D00, s22  }
0x1ca: {  	[hbm4b:s24+s4] =	stream.strided.scatter [tilespmem:s28], [sflag:$0x4], $0x400, s17, s4, $0x38;
	[tilespmem:$0x10100] =	vst v63  }
0x1cb: {  	_ =	swait.ge [sflag:s16], $0x8000  }
0x1cc: {  	[sflag:s16] =	ssyncset.done $0x0  }
0x1cd: {  	[sflag:s16] =	ssyncadd.s32 $0xFFFF8000  }
0x1ce: {  	_ =	swait.ge [sflag:s20], $0x8000  }
0x1cf: {  	[sflag:s20] =	ssyncset.done $0x0  }
0x1d0: {  	[sflag:s20] =	ssyncadd.s32 $0xFFFF8000  }
0x1d1: {  	v3 =	vld [tilespmem:$0xA0];
	_ =	sdelay $0x4  }
0x1d2: {  	v4 =	vshll.u32 v3, $0x3  }
0x1d3: {  	v3 =	vand.u32 $0x7, v3;
	v4 =	vand.u32 $0xFFFFFFC0, v4  }
0x1d4: {  	v3 =	vor.u32 v3, v4  }
0x1d5: {  	v4 =	vperm.xlane v3, v0;
	_ =	sdelay $0x1  }
0x1d6: {  	v4 =	vadd.s32 v1, v4;
	_ =	sdelay $0x3  }
0x1d7: {  	s22 =	simm.s32 $0x0;
	s25 =	simm.s32 $0x8100  }
0x1d8: {  	[tilespmem:s25], [sflag:$0x2] =	stream.indirect_vreg.gather [hbm4b:s1+s22], $0x80, v4, vm0, $0xb8;
	[tilespmem:$0x10100] =	vst v63  }
0x1d9: {  	s26 =	simm.s32 $0x8900;
	v3 =	vperm.xlane v3, v2  }
0x1da: {  	[tilespmem:s26], [sflag:$0x2] =	stream.indirect_vreg.gather [hbm4b:s5+s22], $0x80, v4, vm0, $0xb8;
	[tilespmem:$0x10100] =	vst v63  }
0x1db: {  	s28 =	simm.s32 $0x9100;
	v3 =	vadd.s32 v1, v3  }
0x1dc: {  	[tilespmem:s28], [sflag:$0x2] =	stream.indirect_vreg.gather [hbm4b:s6+s22], $0x80, v4, vm0, $0xb8;
	[tilespmem:$0x10100] =	vst v63  }
0x1dd: {  	s24 =	simm.s32 $0x9900  }
0x1de: {  	[tilespmem:s24], [sflag:$0x2] =	stream.indirect_vreg.gather [hbm4b:s7+s22], $0x80, v4, vm0, $0xb8;
	[tilespmem:$0x10100] =	vst v63  }
0x1df: {  	s25 =	simm.s32 $0xA100  }
0x1e0: {  	[tilespmem:s25], [sflag:$0x2] =	stream.indirect_vreg.gather [hbm4b:s1+s22], $0x80, v3, vm0, $0xb8;
	[tilespmem:$0x10100] =	vst v63  }
0x1e1: {  	s26 =	simm.s32 $0xA900  }
0x1e2: {  	[tilespmem:s26], [sflag:$0x2] =	stream.indirect_vreg.gather [hbm4b:s5+s22], $0x80, v3, vm0, $0xb8;
	[tilespmem:$0x10100] =	vst v63  }
0x1e3: {  	s28 =	simm.s32 $0xB100  }
0x1e4: {  	[tilespmem:s28], [sflag:$0x2] =	stream.indirect_vreg.gather [hbm4b:s6+s22], $0x80, v3, vm0, $0xb8;
	[tilespmem:$0x10100] =	vst v63  }
0x1e5: {  	s24 =	simm.s32 $0xB900  }
0x1e6: {  	[tilespmem:s24], [sflag:$0x2] =	stream.indirect_vreg.gather [hbm4b:s7+s22], $0x80, v3, vm0, $0xb8;
	[tilespmem:$0x10100] =	vst v63  }
0x1e7: {  	v3 =	vld [tilespmem:$0xB0];
	_ =	sdelay $0x4  }
0x1e8: {  	v63 =	vshll.u32 v3, $0x3  }
0x1e9: {  	v3 =	vand.u32 $0x7, v3;
	v4 =	vand.u32 $0xFFFFFFC0, v63  }
0x1ea: {  	v3 =	vor.u32 v3, v4  }
0x1eb: {  	v4 =	vperm.xlane v3, v0;
	_ =	sdelay $0x1  }
0x1ec: {  	v4 =	vadd.s32 v1, v4;
	_ =	sdelay $0x3  }
0x1ed: {  	s25 =	simm.s32 $0xC100  }
0x1ee: {  	[tilespmem:s25], [sflag:$0x2] =	stream.indirect_vreg.gather [hbm4b:s1+s22], $0x80, v4, vm0, $0xb8;
	[tilespmem:$0x10100] =	vst v63  }
0x1ef: {  	s26 =	simm.s32 $0xC900;
	v3 =	vperm.xlane v3, v2  }
0x1f0: {  	[tilespmem:s26], [sflag:$0x2] =	stream.indirect_vreg.gather [hbm4b:s5+s22], $0x80, v4, vm0, $0xb8;
	[tilespmem:$0x10100] =	vst v63  }
0x1f1: {  	s28 =	simm.s32 $0xD100;
	v3 =	vadd.s32 v1, v3  }
0x1f2: {  	[tilespmem:s28], [sflag:$0x2] =	stream.indirect_vreg.gather [hbm4b:s6+s22], $0x80, v4, vm0, $0xb8;
	[tilespmem:$0x10100] =	vst v63  }
0x1f3: {  	_ = 	snop  }
0x1f4: {  	[tilespmem:s29], [sflag:$0x2] =	stream.indirect_vreg.gather [hbm4b:s7+s22], $0x80, v4, vm0, $0xb8;
	[tilespmem:$0x10100] =	vst v63  }
0x1f5: {  	_ = 	snop  }
0x1f6: {  	[tilespmem:s30], [sflag:$0x2] =	stream.indirect_vreg.gather [hbm4b:s1+s22], $0x80, v3, vm0, $0xb8;
	[tilespmem:$0x10100] =	vst v63  }
0x1f7: {  	_ = 	snop  }
0x1f8: {  	[tilespmem:s31], [sflag:$0x2] =	stream.indirect_vreg.gather [hbm4b:s5+s22], $0x80, v3, vm0, $0xb8;
	[tilespmem:$0x10100] =	vst v63  }
0x1f9: {  	_ = 	snop  }
0x1fa: {  	[tilespmem:s0], [sflag:$0x2] =	stream.indirect_vreg.gather [hbm4b:s6+s22], $0x80, v3, vm0, $0xb8;
	[tilespmem:$0x10100] =	vst v63  }
0x1fb: {  	_ = 	snop  }
0x1fc: {  	[tilespmem:s2], [sflag:$0x2] =	stream.indirect_vreg.gather [hbm4b:s7+s22], $0x80, v3, vm0, $0xb8;
	[tilespmem:$0x10100] =	vst v63  }
0x1fd: {  	s23 =	simm.s32 $0x100  }
0x1fe: {  	[hbm4b:s12+s4] =	stream.strided.scatter [tilespmem:s23], [sflag:$0x3], $0x400, s17, s4, $0x38;
	[tilespmem:$0x10100] =	vst v63  }
0x1ff: {  	s24 =	simm.s32 $0x500;
	s25 =	sadd.s32 $0x40, s12  }
0x200: {  	[hbm4b:s25+s4] =	stream.strided.scatter [tilespmem:s24], [sflag:$0x3], $0x400, s17, s4, $0x38;
	[tilespmem:$0x10100] =	vst v63  }
0x201: {  	s26 =	simm.s32 $0x900;
	s28 =	sadd.s32 $0x80, s12  }
0x202: {  	[hbm4b:s28+s4] =	stream.strided.scatter [tilespmem:s26], [sflag:$0x3], $0x400, s17, s4, $0x38;
	[tilespmem:$0x10100] =	vst v63  }
0x203: {  	s24 =	simm.s32 $0xD00;
	s25 =	sadd.s32 $0xC0, s12  }
0x204: {  	[hbm4b:s25+s4] =	stream.strided.scatter [tilespmem:s24], [sflag:$0x3], $0x400, s17, s4, $0x38;
	[tilespmem:$0x10100] =	vst v63  }
0x205: {  	s26 =	simm.s32 $0x1100;
	s28 =	sadd.s32 $0x100, s12  }
0x206: {  	[hbm4b:s28+s4] =	stream.strided.scatter [tilespmem:s26], [sflag:$0x3], $0x400, s17, s4, $0x38;
	[tilespmem:$0x10100] =	vst v63  }
0x207: {  	s22 =	simm.s32 $0x2000;
	s24 =	simm.s32 $0x1500;
	s25 =	sadd.s32 $0x140, s12  }
0x208: {  	[hbm4b:s25+s4] =	stream.strided.scatter [tilespmem:s24], [sflag:$0x3], $0x400, s17, s4, $0x38;
	[tilespmem:$0x10100] =	vst v63  }
0x209: {  	s23 =	sadd.s32 $0x400, s12;
	s26 =	simm.s32 $0x1900;
	s28 =	sadd.s32 $0x180, s12  }
0x20a: {  	[hbm4b:s28+s4] =	stream.strided.scatter [tilespmem:s26], [sflag:$0x3], $0x400, s17, s4, $0x38;
	[tilespmem:$0x10100] =	vst v63  }
0x20b: {  	s24 =	simm.s32 $0x10000;
	s25 =	simm.s32 $0x1D00;
	s26 =	sadd.s32 $0x1C0, s12  }
.LBB2_10:
0x20c: {  	[hbm4b:s26+s4] =	stream.strided.scatter [tilespmem:s25], [sflag:$0x3], $0x400, s17, s4, $0x38;
	[tilespmem:$0x10100] =	vst v63  }
0x20d: {  	s25 =	smov.u32 s22;
	s22 =	smov.u32 s24  }
0x20e: {  	s28 =	sadd.s32 $0x8000, s24;
	s22 =	sshra.s32 s22, $0x2;
	s26 =	sadd.s32 $0x100, s25  }
0x20f: {  	[hbm4b:s23+s4] =	stream.strided.scatter [tilespmem:s26], [sflag:$0x3], $0x400, s17, s4, $0x38;
	[tilespmem:$0x10100] =	vst v63  }
0x210: {  	p0 =	sne.s32 s24, $0x18000;
	s24 =	sadd.s32 $0x500, s25;
	s26 =	sadd.s32 $0x40, s23  }
0x211: {  	[hbm4b:s26+s4] =	stream.strided.scatter [tilespmem:s24], [sflag:$0x3], $0x400, s17, s4, $0x38;
	[tilespmem:$0x10100] =	vst v63  }
0x212: {  	s24 =	sadd.s32 $0x900, s25;
	s26 =	sadd.s32 $0x80, s23  }
0x213: {  	[hbm4b:s26+s4] =	stream.strided.scatter [tilespmem:s24], [sflag:$0x3], $0x400, s17, s4, $0x38;
	[tilespmem:$0x10100] =	vst v63  }
0x214: {  	s24 =	sadd.s32 $0xD00, s25;
	s26 =	sadd.s32 $0xC0, s23  }
0x215: {  	[hbm4b:s26+s4] =	stream.strided.scatter [tilespmem:s24], [sflag:$0x3], $0x400, s17, s4, $0x38;
	[tilespmem:$0x10100] =	vst v63  }
0x216: {  	s24 =	sadd.s32 $0x1100, s25;
	s26 =	sadd.s32 $0x100, s23  }
0x217: {  	[hbm4b:s26+s4] =	stream.strided.scatter [tilespmem:s24], [sflag:$0x3], $0x400, s17, s4, $0x38;
	[tilespmem:$0x10100] =	vst v63  }
.Ltmp4:
0x218: {  	s24 =	sadd.s32 $0x1500, s25;
	s26 =	sadd.s32 $0x140, s23;
	(pc) =	sbr.rel @p0 .LBB2_10-.Ltmp4, $4  }
0x219: {  	[hbm4b:s26+s4] =	stream.strided.scatter [tilespmem:s24], [sflag:$0x3], $0x400, s17, s4, $0x38;
	[tilespmem:$0x10100] =	vst v63  }
0x21a: {  	s24 =	sadd.s32 $0x1900, s25;
	s26 =	sadd.s32 $0x180, s23;
	s25 =	sadd.s32 $0x1D00, s25  }
0x21b: {  	[hbm4b:s26+s4] =	stream.strided.scatter [tilespmem:s24], [sflag:$0x3], $0x400, s17, s4, $0x38;
	[tilespmem:$0x10100] =	vst v63  }
0x21c: {  	s26 =	sadd.s32 $0x1C0, s23;
	s23 =	sadd.s32 $0x400, s23;
	s24 =	smov.u32 s28  }
0x21d: {  	[hbm4b:s26+s4] =	stream.strided.scatter [tilespmem:s25], [sflag:$0x3], $0x400, s17, s4, $0x38;
	[tilespmem:$0x10100] =	vst v63  }
0x21e: {  	s24 =	sadd.s32 $0x100, s22  }
0x21f: {  	[hbm4b:s23+s4] =	stream.strided.scatter [tilespmem:s24], [sflag:$0x3], $0x400, s17, s4, $0x38;
	[tilespmem:$0x10100] =	vst v63  }
0x220: {  	s26 =	sadd.s32 $0x500, s22;
	s28 =	sadd.s32 $0x40, s23  }
0x221: {  	[hbm4b:s28+s4] =	stream.strided.scatter [tilespmem:s26], [sflag:$0x3], $0x400, s17, s4, $0x38;
	[tilespmem:$0x10100] =	vst v63  }
0x222: {  	s26 =	sadd.s32 $0x900, s22;
	s28 =	sadd.s32 $0x80, s23  }
0x223: {  	[hbm4b:s28+s4] =	stream.strided.scatter [tilespmem:s26], [sflag:$0x3], $0x400, s17, s4, $0x38;
	[tilespmem:$0x10100] =	vst v63  }
0x224: {  	s26 =	sadd.s32 $0xD00, s22;
	s28 =	sadd.s32 $0xC0, s23  }
0x225: {  	[hbm4b:s28+s4] =	stream.strided.scatter [tilespmem:s26], [sflag:$0x3], $0x400, s17, s4, $0x38;
	[tilespmem:$0x10100] =	vst v63  }
0x226: {  	s26 =	sadd.s32 $0x1100, s22;
	s28 =	sadd.s32 $0x100, s23  }
0x227: {  	[hbm4b:s28+s4] =	stream.strided.scatter [tilespmem:s26], [sflag:$0x3], $0x400, s17, s4, $0x38;
	[tilespmem:$0x10100] =	vst v63  }
0x228: {  	s26 =	sadd.s32 $0x1500, s22;
	s28 =	sadd.s32 $0x140, s23  }
0x229: {  	[hbm4b:s28+s4] =	stream.strided.scatter [tilespmem:s26], [sflag:$0x3], $0x400, s17, s4, $0x38;
	[tilespmem:$0x10100] =	vst v63  }
0x22a: {  	s26 =	sadd.s32 $0x1900, s22;
	s28 =	sadd.s32 $0x180, s23  }
0x22b: {  	[hbm4b:s28+s4] =	stream.strided.scatter [tilespmem:s26], [sflag:$0x3], $0x400, s17, s4, $0x38;
	[tilespmem:$0x10100] =	vst v63  }
0x22c: {  	s26 =	sadd.s32 $0x1D00, s22;
	s28 =	sadd.s32 $0x1C0, s23  }
0x22d: {  	[hbm4b:s28+s4] =	stream.strided.scatter [tilespmem:s26], [sflag:$0x3], $0x400, s17, s4, $0x38;
	[tilespmem:$0x10100] =	vst v63  }
0x22e: {  	_ =	swait.ge [sflag:s18], $0x8000  }
0x22f: {  	[sflag:s18] =	ssyncset.done $0x0  }
0x230: {  	[sflag:s18] =	ssyncadd.s32 $0xFFFF8000  }
0x231: {  	_ =	swait.ge [sflag:s19], $0x8000  }
0x232: {  	[sflag:s19] =	ssyncset.done $0x0  }
0x233: {  	[sflag:s19] =	ssyncadd.s32 $0xFFFF8000  }
0x234: {  	v3 =	vld [tilespmem:$0xC0];
	_ =	sdelay $0x4  }
0x235: {  	v4 =	vshll.u32 v3, $0x3  }
0x236: {  	v3 =	vand.u32 $0x7, v3;
	v4 =	vand.u32 $0xFFFFFFC0, v4  }
0x237: {  	v3 =	vor.u32 v3, v4  }
0x238: {  	v4 =	vperm.xlane v3, v0;
	_ =	sdelay $0x1  }
0x239: {  	v4 =	vadd.s32 v1, v4;
	_ =	sdelay $0x3  }
0x23a: {  	s24 =	simm.s32 $0x100;
	s22 =	simm.s32 $0x0  }
0x23b: {  	[tilespmem:s24], [sflag:$0x1] =	stream.indirect_vreg.gather [hbm4b:s1+s22], $0x80, v4, vm0, $0xb8;
	[tilespmem:$0x10100] =	vst v63  }
0x23c: {  	s25 =	simm.s32 $0x900;
	v3 =	vperm.xlane v3, v2  }
0x23d: {  	[tilespmem:s25], [sflag:$0x1] =	stream.indirect_vreg.gather [hbm4b:s5+s22], $0x80, v4, vm0, $0xb8;
	[tilespmem:$0x10100] =	vst v63  }
0x23e: {  	s26 =	simm.s32 $0x1100;
	v3 =	vadd.s32 v1, v3  }
0x23f: {  	[tilespmem:s26], [sflag:$0x1] =	stream.indirect_vreg.gather [hbm4b:s6+s22], $0x80, v4, vm0, $0xb8;
	[tilespmem:$0x10100] =	vst v63  }
0x240: {  	s28 =	simm.s32 $0x1900  }
0x241: {  	[tilespmem:s28], [sflag:$0x1] =	stream.indirect_vreg.gather [hbm4b:s7+s22], $0x80, v4, vm0, $0xb8;
	[tilespmem:$0x10100] =	vst v63  }
0x242: {  	s24 =	simm.s32 $0x2100  }
0x243: {  	[tilespmem:s24], [sflag:$0x1] =	stream.indirect_vreg.gather [hbm4b:s1+s22], $0x80, v3, vm0, $0xb8;
	[tilespmem:$0x10100] =	vst v63  }
0x244: {  	s25 =	simm.s32 $0x2900  }
0x245: {  	[tilespmem:s25], [sflag:$0x1] =	stream.indirect_vreg.gather [hbm4b:s5+s22], $0x80, v3, vm0, $0xb8;
	[tilespmem:$0x10100] =	vst v63  }
0x246: {  	s26 =	simm.s32 $0x3100  }
0x247: {  	[tilespmem:s26], [sflag:$0x1] =	stream.indirect_vreg.gather [hbm4b:s6+s22], $0x80, v3, vm0, $0xb8;
	[tilespmem:$0x10100] =	vst v63  }
0x248: {  	s28 =	simm.s32 $0x3900  }
0x249: {  	[tilespmem:s28], [sflag:$0x1] =	stream.indirect_vreg.gather [hbm4b:s7+s22], $0x80, v3, vm0, $0xb8;
	[tilespmem:$0x10100] =	vst v63  }
0x24a: {  	v3 =	vld [tilespmem:$0xD0];
	_ =	sdelay $0x4  }
0x24b: {  	v63 =	vshll.u32 v3, $0x3  }
0x24c: {  	v3 =	vand.u32 $0x7, v3;
	v4 =	vand.u32 $0xFFFFFFC0, v63  }
0x24d: {  	v3 =	vor.u32 v3, v4  }
0x24e: {  	v4 =	vperm.xlane v3, v0;
	_ =	sdelay $0x1  }
0x24f: {  	v4 =	vadd.s32 v1, v4;
	_ =	sdelay $0x3  }
0x250: {  	s24 =	simm.s32 $0x4100  }
0x251: {  	[tilespmem:s24], [sflag:$0x1] =	stream.indirect_vreg.gather [hbm4b:s1+s22], $0x80, v4, vm0, $0xb8;
	[tilespmem:$0x10100] =	vst v63  }
0x252: {  	s25 =	simm.s32 $0x4900;
	v3 =	vperm.xlane v3, v2  }
0x253: {  	[tilespmem:s25], [sflag:$0x1] =	stream.indirect_vreg.gather [hbm4b:s5+s22], $0x80, v4, vm0, $0xb8;
	[tilespmem:$0x10100] =	vst v63  }
0x254: {  	s26 =	simm.s32 $0x5100;
	v3 =	vadd.s32 v1, v3  }
0x255: {  	[tilespmem:s26], [sflag:$0x1] =	stream.indirect_vreg.gather [hbm4b:s6+s22], $0x80, v4, vm0, $0xb8;
	[tilespmem:$0x10100] =	vst v63  }
0x256: {  	s28 =	simm.s32 $0x5900  }
0x257: {  	[tilespmem:s28], [sflag:$0x1] =	stream.indirect_vreg.gather [hbm4b:s7+s22], $0x80, v4, vm0, $0xb8;
	[tilespmem:$0x10100] =	vst v63  }
0x258: {  	s24 =	simm.s32 $0x6100  }
0x259: {  	[tilespmem:s24], [sflag:$0x1] =	stream.indirect_vreg.gather [hbm4b:s1+s22], $0x80, v3, vm0, $0xb8;
	[tilespmem:$0x10100] =	vst v63  }
0x25a: {  	s25 =	simm.s32 $0x6900  }
0x25b: {  	[tilespmem:s25], [sflag:$0x1] =	stream.indirect_vreg.gather [hbm4b:s5+s22], $0x80, v3, vm0, $0xb8;
	[tilespmem:$0x10100] =	vst v63  }
0x25c: {  	s26 =	simm.s32 $0x7100  }
0x25d: {  	[tilespmem:s26], [sflag:$0x1] =	stream.indirect_vreg.gather [hbm4b:s6+s22], $0x80, v3, vm0, $0xb8;
	[tilespmem:$0x10100] =	vst v63  }
0x25e: {  	s28 =	simm.s32 $0x7900  }
0x25f: {  	[tilespmem:s28], [sflag:$0x1] =	stream.indirect_vreg.gather [hbm4b:s7+s22], $0x80, v3, vm0, $0xb8;
	[tilespmem:$0x10100] =	vst v63  }
0x260: {  	s23 =	simm.s32 $0x8100  }
0x261: {  	[hbm4b:s13+s4] =	stream.strided.scatter [tilespmem:s23], [sflag:$0x4], $0x400, s17, s4, $0x38;
	[tilespmem:$0x10100] =	vst v63  }
0x262: {  	s24 =	simm.s32 $0x8500;
	s25 =	sadd.s32 $0x40, s13  }
0x263: {  	[hbm4b:s25+s4] =	stream.strided.scatter [tilespmem:s24], [sflag:$0x4], $0x400, s17, s4, $0x38;
	[tilespmem:$0x10100] =	vst v63  }
0x264: {  	s26 =	simm.s32 $0x8900;
	s28 =	sadd.s32 $0x80, s13  }
0x265: {  	[hbm4b:s28+s4] =	stream.strided.scatter [tilespmem:s26], [sflag:$0x4], $0x400, s17, s4, $0x38;
	[tilespmem:$0x10100] =	vst v63  }
0x266: {  	s24 =	simm.s32 $0x8D00;
	s25 =	sadd.s32 $0xC0, s13  }
0x267: {  	[hbm4b:s25+s4] =	stream.strided.scatter [tilespmem:s24], [sflag:$0x4], $0x400, s17, s4, $0x38;
	[tilespmem:$0x10100] =	vst v63  }
0x268: {  	s26 =	simm.s32 $0x9100;
	s28 =	sadd.s32 $0x100, s13  }
0x269: {  	[hbm4b:s28+s4] =	stream.strided.scatter [tilespmem:s26], [sflag:$0x4], $0x400, s17, s4, $0x38;
	[tilespmem:$0x10100] =	vst v63  }
0x26a: {  	s22 =	simm.s32 $0x2000;
	s24 =	simm.s32 $0x9500;
	s25 =	sadd.s32 $0x140, s13  }
0x26b: {  	[hbm4b:s25+s4] =	stream.strided.scatter [tilespmem:s24], [sflag:$0x4], $0x400, s17, s4, $0x38;
	[tilespmem:$0x10100] =	vst v63  }
0x26c: {  	s23 =	sadd.s32 $0x400, s13;
	s26 =	simm.s32 $0x9900;
	s28 =	sadd.s32 $0x180, s13  }
0x26d: {  	[hbm4b:s28+s4] =	stream.strided.scatter [tilespmem:s26], [sflag:$0x4], $0x400, s17, s4, $0x38;
	[tilespmem:$0x10100] =	vst v63  }
0x26e: {  	s24 =	simm.s32 $0x10000;
	s25 =	simm.s32 $0x9D00;
	s26 =	sadd.s32 $0x1C0, s13  }
.LBB2_12:
0x26f: {  	[hbm4b:s26+s4] =	stream.strided.scatter [tilespmem:s25], [sflag:$0x4], $0x400, s17, s4, $0x38;
	[tilespmem:$0x10100] =	vst v63  }
0x270: {  	s25 =	smov.u32 s22;
	s22 =	smov.u32 s24  }
0x271: {  	s28 =	sadd.s32 $0x8000, s24;
	s22 =	sshra.s32 s22, $0x2;
	s26 =	sadd.s32 $0x8100, s25  }
0x272: {  	[hbm4b:s23+s4] =	stream.strided.scatter [tilespmem:s26], [sflag:$0x4], $0x400, s17, s4, $0x38;
	[tilespmem:$0x10100] =	vst v63  }
0x273: {  	p0 =	sne.s32 s24, $0x18000;
	s24 =	sadd.s32 $0x8500, s25;
	s26 =	sadd.s32 $0x40, s23  }
0x274: {  	[hbm4b:s26+s4] =	stream.strided.scatter [tilespmem:s24], [sflag:$0x4], $0x400, s17, s4, $0x38;
	[tilespmem:$0x10100] =	vst v63  }
0x275: {  	s24 =	sadd.s32 $0x8900, s25;
	s26 =	sadd.s32 $0x80, s23  }
0x276: {  	[hbm4b:s26+s4] =	stream.strided.scatter [tilespmem:s24], [sflag:$0x4], $0x400, s17, s4, $0x38;
	[tilespmem:$0x10100] =	vst v63  }
0x277: {  	s24 =	sadd.s32 $0x8D00, s25;
	s26 =	sadd.s32 $0xC0, s23  }
0x278: {  	[hbm4b:s26+s4] =	stream.strided.scatter [tilespmem:s24], [sflag:$0x4], $0x400, s17, s4, $0x38;
	[tilespmem:$0x10100] =	vst v63  }
0x279: {  	s24 =	sadd.s32 $0x9100, s25;
	s26 =	sadd.s32 $0x100, s23  }
0x27a: {  	[hbm4b:s26+s4] =	stream.strided.scatter [tilespmem:s24], [sflag:$0x4], $0x400, s17, s4, $0x38;
	[tilespmem:$0x10100] =	vst v63  }
.Ltmp5:
0x27b: {  	s24 =	sadd.s32 $0x9500, s25;
	s26 =	sadd.s32 $0x140, s23;
	(pc) =	sbr.rel @p0 .LBB2_12-.Ltmp5, $4  }
0x27c: {  	[hbm4b:s26+s4] =	stream.strided.scatter [tilespmem:s24], [sflag:$0x4], $0x400, s17, s4, $0x38;
	[tilespmem:$0x10100] =	vst v63  }
0x27d: {  	s24 =	sadd.s32 $0x9900, s25;
	s26 =	sadd.s32 $0x180, s23;
	s25 =	sadd.s32 $0x9D00, s25  }
0x27e: {  	[hbm4b:s26+s4] =	stream.strided.scatter [tilespmem:s24], [sflag:$0x4], $0x400, s17, s4, $0x38;
	[tilespmem:$0x10100] =	vst v63  }
0x27f: {  	s26 =	sadd.s32 $0x1C0, s23;
	s23 =	sadd.s32 $0x400, s23;
	s24 =	smov.u32 s28  }
0x280: {  	[hbm4b:s26+s4] =	stream.strided.scatter [tilespmem:s25], [sflag:$0x4], $0x400, s17, s4, $0x38;
	[tilespmem:$0x10100] =	vst v63  }
0x281: {  	s24 =	sadd.s32 $0x8100, s22  }
0x282: {  	[hbm4b:s23+s4] =	stream.strided.scatter [tilespmem:s24], [sflag:$0x4], $0x400, s17, s4, $0x38;
	[tilespmem:$0x10100] =	vst v63  }
0x283: {  	s26 =	sadd.s32 $0x8500, s22;
	s28 =	sadd.s32 $0x40, s23  }
0x284: {  	[hbm4b:s28+s4] =	stream.strided.scatter [tilespmem:s26], [sflag:$0x4], $0x400, s17, s4, $0x38;
	[tilespmem:$0x10100] =	vst v63  }
0x285: {  	s26 =	sadd.s32 $0x8900, s22;
	s28 =	sadd.s32 $0x80, s23  }
0x286: {  	[hbm4b:s28+s4] =	stream.strided.scatter [tilespmem:s26], [sflag:$0x4], $0x400, s17, s4, $0x38;
	[tilespmem:$0x10100] =	vst v63  }
0x287: {  	s26 =	sadd.s32 $0x8D00, s22;
	s28 =	sadd.s32 $0xC0, s23  }
0x288: {  	[hbm4b:s28+s4] =	stream.strided.scatter [tilespmem:s26], [sflag:$0x4], $0x400, s17, s4, $0x38;
	[tilespmem:$0x10100] =	vst v63  }
0x289: {  	s26 =	sadd.s32 $0x9100, s22;
	s28 =	sadd.s32 $0x100, s23  }
0x28a: {  	[hbm4b:s28+s4] =	stream.strided.scatter [tilespmem:s26], [sflag:$0x4], $0x400, s17, s4, $0x38;
	[tilespmem:$0x10100] =	vst v63  }
0x28b: {  	s26 =	sadd.s32 $0x9500, s22;
	s28 =	sadd.s32 $0x140, s23  }
0x28c: {  	[hbm4b:s28+s4] =	stream.strided.scatter [tilespmem:s26], [sflag:$0x4], $0x400, s17, s4, $0x38;
	[tilespmem:$0x10100] =	vst v63  }
0x28d: {  	s25 =	sadd.s32 $0x9900, s22;
	s26 =	sadd.s32 $0x180, s23  }
0x28e: {  	[hbm4b:s26+s4] =	stream.strided.scatter [tilespmem:s25], [sflag:$0x4], $0x400, s17, s4, $0x38;
	[tilespmem:$0x10100] =	vst v63  }
0x28f: {  	s24 =	sadd.s32 $0x1C0, s23;
	s28 =	sadd.s32 $0x9D00, s22  }
0x290: {  	[hbm4b:s24+s4] =	stream.strided.scatter [tilespmem:s28], [sflag:$0x4], $0x400, s17, s4, $0x38;
	[tilespmem:$0x10100] =	vst v63  }
0x291: {  	_ =	swait.ge [sflag:s16], $0x8000  }
0x292: {  	[sflag:s16] =	ssyncset.done $0x0  }
0x293: {  	[sflag:s16] =	ssyncadd.s32 $0xFFFF8000  }
0x294: {  	_ =	swait.ge [sflag:s20], $0x8000  }
0x295: {  	[sflag:s20] =	ssyncset.done $0x0  }
0x296: {  	[sflag:s20] =	ssyncadd.s32 $0xFFFF8000  }
0x297: {  	v3 =	vld [tilespmem:$0xE0];
	_ =	sdelay $0x4  }
0x298: {  	v4 =	vshll.u32 v3, $0x3  }
0x299: {  	v3 =	vand.u32 $0x7, v3;
	v4 =	vand.u32 $0xFFFFFFC0, v4  }
0x29a: {  	v3 =	vor.u32 v3, v4  }
0x29b: {  	v4 =	vperm.xlane v3, v0;
	_ =	sdelay $0x1  }
0x29c: {  	v4 =	vadd.s32 v1, v4;
	_ =	sdelay $0x3  }
0x29d: {  	s22 =	simm.s32 $0x0;
	s25 =	simm.s32 $0x8100  }
0x29e: {  	[tilespmem:s25], [sflag:$0x2] =	stream.indirect_vreg.gather [hbm4b:s1+s22], $0x80, v4, vm0, $0xb8;
	[tilespmem:$0x10100] =	vst v63  }
0x29f: {  	s26 =	simm.s32 $0x8900;
	v3 =	vperm.xlane v3, v2  }
0x2a0: {  	[tilespmem:s26], [sflag:$0x2] =	stream.indirect_vreg.gather [hbm4b:s5+s22], $0x80, v4, vm0, $0xb8;
	[tilespmem:$0x10100] =	vst v63  }
0x2a1: {  	s28 =	simm.s32 $0x9100;
	v3 =	vadd.s32 v1, v3  }
0x2a2: {  	[tilespmem:s28], [sflag:$0x2] =	stream.indirect_vreg.gather [hbm4b:s6+s22], $0x80, v4, vm0, $0xb8;
	[tilespmem:$0x10100] =	vst v63  }
0x2a3: {  	s24 =	simm.s32 $0x9900  }
0x2a4: {  	[tilespmem:s24], [sflag:$0x2] =	stream.indirect_vreg.gather [hbm4b:s7+s22], $0x80, v4, vm0, $0xb8;
	[tilespmem:$0x10100] =	vst v63  }
0x2a5: {  	s25 =	simm.s32 $0xA100  }
0x2a6: {  	[tilespmem:s25], [sflag:$0x2] =	stream.indirect_vreg.gather [hbm4b:s1+s22], $0x80, v3, vm0, $0xb8;
	[tilespmem:$0x10100] =	vst v63  }
0x2a7: {  	s26 =	simm.s32 $0xA900  }
0x2a8: {  	[tilespmem:s26], [sflag:$0x2] =	stream.indirect_vreg.gather [hbm4b:s5+s22], $0x80, v3, vm0, $0xb8;
	[tilespmem:$0x10100] =	vst v63  }
0x2a9: {  	s28 =	simm.s32 $0xB100  }
0x2aa: {  	[tilespmem:s28], [sflag:$0x2] =	stream.indirect_vreg.gather [hbm4b:s6+s22], $0x80, v3, vm0, $0xb8;
	[tilespmem:$0x10100] =	vst v63  }
0x2ab: {  	s24 =	simm.s32 $0xB900  }
0x2ac: {  	[tilespmem:s24], [sflag:$0x2] =	stream.indirect_vreg.gather [hbm4b:s7+s22], $0x80, v3, vm0, $0xb8;
	[tilespmem:$0x10100] =	vst v63  }
0x2ad: {  	v3 =	vld [tilespmem:$0xF0];
	_ =	sdelay $0x4  }
0x2ae: {  	v63 =	vshll.u32 v3, $0x3  }
0x2af: {  	v3 =	vand.u32 $0x7, v3;
	v4 =	vand.u32 $0xFFFFFFC0, v63  }
0x2b0: {  	v3 =	vor.u32 v3, v4  }
0x2b1: {  	v4 =	vperm.xlane v3, v0;
	_ =	sdelay $0x1  }
0x2b2: {  	v4 =	vadd.s32 v1, v4;
	_ =	sdelay $0x3  }
0x2b3: {  	s25 =	simm.s32 $0xC100  }
0x2b4: {  	[tilespmem:s25], [sflag:$0x2] =	stream.indirect_vreg.gather [hbm4b:s1+s22], $0x80, v4, vm0, $0xb8;
	[tilespmem:$0x10100] =	vst v63  }
0x2b5: {  	s26 =	simm.s32 $0xC900;
	v3 =	vperm.xlane v3, v2  }
0x2b6: {  	[tilespmem:s26], [sflag:$0x2] =	stream.indirect_vreg.gather [hbm4b:s5+s22], $0x80, v4, vm0, $0xb8;
	[tilespmem:$0x10100] =	vst v63  }
0x2b7: {  	s28 =	simm.s32 $0xD100;
	v3 =	vadd.s32 v1, v3  }
0x2b8: {  	[tilespmem:s28], [sflag:$0x2] =	stream.indirect_vreg.gather [hbm4b:s6+s22], $0x80, v4, vm0, $0xb8;
	[tilespmem:$0x10100] =	vst v63  }
0x2b9: {  	_ = 	snop  }
0x2ba: {  	[tilespmem:s29], [sflag:$0x2] =	stream.indirect_vreg.gather [hbm4b:s7+s22], $0x80, v4, vm0, $0xb8;
	[tilespmem:$0x10100] =	vst v63  }
0x2bb: {  	_ = 	snop  }
0x2bc: {  	[tilespmem:s30], [sflag:$0x2] =	stream.indirect_vreg.gather [hbm4b:s1+s22], $0x80, v3, vm0, $0xb8;
	[tilespmem:$0x10100] =	vst v63  }
0x2bd: {  	_ = 	snop  }
0x2be: {  	[tilespmem:s31], [sflag:$0x2] =	stream.indirect_vreg.gather [hbm4b:s5+s22], $0x80, v3, vm0, $0xb8;
	[tilespmem:$0x10100] =	vst v63  }
0x2bf: {  	_ = 	snop  }
0x2c0: {  	[tilespmem:s0], [sflag:$0x2] =	stream.indirect_vreg.gather [hbm4b:s6+s22], $0x80, v3, vm0, $0xb8;
	[tilespmem:$0x10100] =	vst v63  }
0x2c1: {  	_ = 	snop  }
0x2c2: {  	[tilespmem:s2], [sflag:$0x2] =	stream.indirect_vreg.gather [hbm4b:s7+s22], $0x80, v3, vm0, $0xb8;
	[tilespmem:$0x10100] =	vst v63  }
0x2c3: {  	s23 =	simm.s32 $0x100  }
0x2c4: {  	[hbm4b:s14+s4] =	stream.strided.scatter [tilespmem:s23], [sflag:$0x3], $0x400, s17, s4, $0x38;
	[tilespmem:$0x10100] =	vst v63  }
0x2c5: {  	s24 =	simm.s32 $0x500;
	s25 =	sadd.s32 $0x40, s14  }
0x2c6: {  	[hbm4b:s25+s4] =	stream.strided.scatter [tilespmem:s24], [sflag:$0x3], $0x400, s17, s4, $0x38;
	[tilespmem:$0x10100] =	vst v63  }
0x2c7: {  	s26 =	simm.s32 $0x900;
	s28 =	sadd.s32 $0x80, s14  }
0x2c8: {  	[hbm4b:s28+s4] =	stream.strided.scatter [tilespmem:s26], [sflag:$0x3], $0x400, s17, s4, $0x38;
	[tilespmem:$0x10100] =	vst v63  }
0x2c9: {  	s24 =	simm.s32 $0xD00;
	s25 =	sadd.s32 $0xC0, s14  }
0x2ca: {  	[hbm4b:s25+s4] =	stream.strided.scatter [tilespmem:s24], [sflag:$0x3], $0x400, s17, s4, $0x38;
	[tilespmem:$0x10100] =	vst v63  }
0x2cb: {  	s26 =	simm.s32 $0x1100;
	s28 =	sadd.s32 $0x100, s14  }
0x2cc: {  	[hbm4b:s28+s4] =	stream.strided.scatter [tilespmem:s26], [sflag:$0x3], $0x400, s17, s4, $0x38;
	[tilespmem:$0x10100] =	vst v63  }
0x2cd: {  	s22 =	simm.s32 $0x2000;
	s24 =	simm.s32 $0x1500;
	s25 =	sadd.s32 $0x140, s14  }
0x2ce: {  	[hbm4b:s25+s4] =	stream.strided.scatter [tilespmem:s24], [sflag:$0x3], $0x400, s17, s4, $0x38;
	[tilespmem:$0x10100] =	vst v63  }
0x2cf: {  	s23 =	sadd.s32 $0x400, s14;
	s26 =	simm.s32 $0x1900;
	s28 =	sadd.s32 $0x180, s14  }
0x2d0: {  	[hbm4b:s28+s4] =	stream.strided.scatter [tilespmem:s26], [sflag:$0x3], $0x400, s17, s4, $0x38;
	[tilespmem:$0x10100] =	vst v63  }
0x2d1: {  	s24 =	simm.s32 $0x10000;
	s25 =	simm.s32 $0x1D00;
	s26 =	sadd.s32 $0x1C0, s14  }
.LBB2_14:
0x2d2: {  	[hbm4b:s26+s4] =	stream.strided.scatter [tilespmem:s25], [sflag:$0x3], $0x400, s17, s4, $0x38;
	[tilespmem:$0x10100] =	vst v63  }
0x2d3: {  	s25 =	smov.u32 s22;
	s22 =	smov.u32 s24  }
0x2d4: {  	s28 =	sadd.s32 $0x8000, s24;
	s22 =	sshra.s32 s22, $0x2;
	s26 =	sadd.s32 $0x100, s25  }
0x2d5: {  	[hbm4b:s23+s4] =	stream.strided.scatter [tilespmem:s26], [sflag:$0x3], $0x400, s17, s4, $0x38;
	[tilespmem:$0x10100] =	vst v63  }
0x2d6: {  	p0 =	sne.s32 s24, $0x18000;
	s24 =	sadd.s32 $0x500, s25;
	s26 =	sadd.s32 $0x40, s23  }
0x2d7: {  	[hbm4b:s26+s4] =	stream.strided.scatter [tilespmem:s24], [sflag:$0x3], $0x400, s17, s4, $0x38;
	[tilespmem:$0x10100] =	vst v63  }
0x2d8: {  	s24 =	sadd.s32 $0x900, s25;
	s26 =	sadd.s32 $0x80, s23  }
0x2d9: {  	[hbm4b:s26+s4] =	stream.strided.scatter [tilespmem:s24], [sflag:$0x3], $0x400, s17, s4, $0x38;
	[tilespmem:$0x10100] =	vst v63  }
0x2da: {  	s24 =	sadd.s32 $0xD00, s25;
	s26 =	sadd.s32 $0xC0, s23  }
0x2db: {  	[hbm4b:s26+s4] =	stream.strided.scatter [tilespmem:s24], [sflag:$0x3], $0x400, s17, s4, $0x38;
	[tilespmem:$0x10100] =	vst v63  }
0x2dc: {  	s24 =	sadd.s32 $0x1100, s25;
	s26 =	sadd.s32 $0x100, s23  }
0x2dd: {  	[hbm4b:s26+s4] =	stream.strided.scatter [tilespmem:s24], [sflag:$0x3], $0x400, s17, s4, $0x38;
	[tilespmem:$0x10100] =	vst v63  }
.Ltmp6:
0x2de: {  	s24 =	sadd.s32 $0x1500, s25;
	s26 =	sadd.s32 $0x140, s23;
	(pc) =	sbr.rel @p0 .LBB2_14-.Ltmp6, $4  }
0x2df: {  	[hbm4b:s26+s4] =	stream.strided.scatter [tilespmem:s24], [sflag:$0x3], $0x400, s17, s4, $0x38;
	[tilespmem:$0x10100] =	vst v63  }
0x2e0: {  	s24 =	sadd.s32 $0x1900, s25;
	s26 =	sadd.s32 $0x180, s23;
	s25 =	sadd.s32 $0x1D00, s25  }
0x2e1: {  	[hbm4b:s26+s4] =	stream.strided.scatter [tilespmem:s24], [sflag:$0x3], $0x400, s17, s4, $0x38;
	[tilespmem:$0x10100] =	vst v63  }
0x2e2: {  	s26 =	sadd.s32 $0x1C0, s23;
	s23 =	sadd.s32 $0x400, s23;
	s24 =	smov.u32 s28  }
0x2e3: {  	[hbm4b:s26+s4] =	stream.strided.scatter [tilespmem:s25], [sflag:$0x3], $0x400, s17, s4, $0x38;
	[tilespmem:$0x10100] =	vst v63  }
0x2e4: {  	s24 =	sadd.s32 $0x100, s22  }
0x2e5: {  	[hbm4b:s23+s4] =	stream.strided.scatter [tilespmem:s24], [sflag:$0x3], $0x400, s17, s4, $0x38;
	[tilespmem:$0x10100] =	vst v63  }
0x2e6: {  	s26 =	sadd.s32 $0x500, s22;
	s28 =	sadd.s32 $0x40, s23  }
0x2e7: {  	[hbm4b:s28+s4] =	stream.strided.scatter [tilespmem:s26], [sflag:$0x3], $0x400, s17, s4, $0x38;
	[tilespmem:$0x10100] =	vst v63  }
0x2e8: {  	s26 =	sadd.s32 $0x900, s22;
	s28 =	sadd.s32 $0x80, s23  }
0x2e9: {  	[hbm4b:s28+s4] =	stream.strided.scatter [tilespmem:s26], [sflag:$0x3], $0x400, s17, s4, $0x38;
	[tilespmem:$0x10100] =	vst v63  }
0x2ea: {  	s26 =	sadd.s32 $0xD00, s22;
	s28 =	sadd.s32 $0xC0, s23  }
0x2eb: {  	[hbm4b:s28+s4] =	stream.strided.scatter [tilespmem:s26], [sflag:$0x3], $0x400, s17, s4, $0x38;
	[tilespmem:$0x10100] =	vst v63  }
0x2ec: {  	s26 =	sadd.s32 $0x1100, s22;
	s28 =	sadd.s32 $0x100, s23  }
0x2ed: {  	[hbm4b:s28+s4] =	stream.strided.scatter [tilespmem:s26], [sflag:$0x3], $0x400, s17, s4, $0x38;
	[tilespmem:$0x10100] =	vst v63  }
0x2ee: {  	s26 =	sadd.s32 $0x1500, s22;
	s28 =	sadd.s32 $0x140, s23  }
0x2ef: {  	[hbm4b:s28+s4] =	stream.strided.scatter [tilespmem:s26], [sflag:$0x3], $0x400, s17, s4, $0x38;
	[tilespmem:$0x10100] =	vst v63  }
0x2f0: {  	s26 =	sadd.s32 $0x1900, s22;
	s28 =	sadd.s32 $0x180, s23  }
0x2f1: {  	[hbm4b:s28+s4] =	stream.strided.scatter [tilespmem:s26], [sflag:$0x3], $0x400, s17, s4, $0x38;
	[tilespmem:$0x10100] =	vst v63  }
0x2f2: {  	s26 =	sadd.s32 $0x1D00, s22;
	s28 =	sadd.s32 $0x1C0, s23  }
0x2f3: {  	[hbm4b:s28+s4] =	stream.strided.scatter [tilespmem:s26], [sflag:$0x3], $0x400, s17, s4, $0x38;
	[tilespmem:$0x10100] =	vst v63  }
0x2f4: {  	_ =	swait.ge [sflag:s18], $0x8000  }
0x2f5: {  	[sflag:s18] =	ssyncset.done $0x0  }
0x2f6: {  	s23 =	simm.s32 $0x8100;
	[sflag:s18] =	ssyncadd.s32 $0xFFFF8000  }
0x2f7: {  	[hbm4b:s15+s4] =	stream.strided.scatter [tilespmem:s23], [sflag:$0x4], $0x400, s17, s4, $0x38;
	[tilespmem:$0x10100] =	vst v63  }
0x2f8: {  	s25 =	sadd.s32 $0x40, s15;
	s24 =	simm.s32 $0x8500  }
0x2f9: {  	[hbm4b:s25+s4] =	stream.strided.scatter [tilespmem:s24], [sflag:$0x4], $0x400, s17, s4, $0x38;
	[tilespmem:$0x10100] =	vst v63  }
0x2fa: {  	s26 =	simm.s32 $0x8900;
	s28 =	sadd.s32 $0x80, s15  }
0x2fb: {  	[hbm4b:s28+s4] =	stream.strided.scatter [tilespmem:s26], [sflag:$0x4], $0x400, s17, s4, $0x38;
	[tilespmem:$0x10100] =	vst v63  }
0x2fc: {  	s24 =	simm.s32 $0x8D00;
	s25 =	sadd.s32 $0xC0, s15  }
0x2fd: {  	[hbm4b:s25+s4] =	stream.strided.scatter [tilespmem:s24], [sflag:$0x4], $0x400, s17, s4, $0x38;
	[tilespmem:$0x10100] =	vst v63  }
0x2fe: {  	s26 =	simm.s32 $0x9100;
	s28 =	sadd.s32 $0x100, s15  }
0x2ff: {  	[hbm4b:s28+s4] =	stream.strided.scatter [tilespmem:s26], [sflag:$0x4], $0x400, s17, s4, $0x38;
	[tilespmem:$0x10100] =	vst v63  }
0x300: {  	s22 =	simm.s32 $0x2000;
	s24 =	simm.s32 $0x9500;
	s25 =	sadd.s32 $0x140, s15  }
0x301: {  	[hbm4b:s25+s4] =	stream.strided.scatter [tilespmem:s24], [sflag:$0x4], $0x400, s17, s4, $0x38;
	[tilespmem:$0x10100] =	vst v63  }
0x302: {  	s23 =	sadd.s32 $0x400, s15;
	s26 =	simm.s32 $0x9900;
	s28 =	sadd.s32 $0x180, s15  }
0x303: {  	[hbm4b:s28+s4] =	stream.strided.scatter [tilespmem:s26], [sflag:$0x4], $0x400, s17, s4, $0x38;
	[tilespmem:$0x10100] =	vst v63  }
0x304: {  	s24 =	simm.s32 $0x10000;
	s25 =	simm.s32 $0x9D00;
	s26 =	sadd.s32 $0x1C0, s15  }
.LBB2_16:
0x305: {  	[hbm4b:s26+s4] =	stream.strided.scatter [tilespmem:s25], [sflag:$0x4], $0x400, s17, s4, $0x38;
	[tilespmem:$0x10100] =	vst v63  }
0x306: {  	s25 =	smov.u32 s22;
	s22 =	smov.u32 s24  }
0x307: {  	s28 =	sadd.s32 $0x8000, s24;
	s22 =	sshra.s32 s22, $0x2;
	s26 =	sadd.s32 $0x8100, s25  }
0x308: {  	[hbm4b:s23+s4] =	stream.strided.scatter [tilespmem:s26], [sflag:$0x4], $0x400, s17, s4, $0x38;
	[tilespmem:$0x10100] =	vst v63  }
0x309: {  	p0 =	sne.s32 s24, $0x18000;
	s24 =	sadd.s32 $0x8500, s25;
	s26 =	sadd.s32 $0x40, s23  }
0x30a: {  	[hbm4b:s26+s4] =	stream.strided.scatter [tilespmem:s24], [sflag:$0x4], $0x400, s17, s4, $0x38;
	[tilespmem:$0x10100] =	vst v63  }
0x30b: {  	s24 =	sadd.s32 $0x8900, s25;
	s26 =	sadd.s32 $0x80, s23  }
0x30c: {  	[hbm4b:s26+s4] =	stream.strided.scatter [tilespmem:s24], [sflag:$0x4], $0x400, s17, s4, $0x38;
	[tilespmem:$0x10100] =	vst v63  }
0x30d: {  	s24 =	sadd.s32 $0x8D00, s25;
	s26 =	sadd.s32 $0xC0, s23  }
0x30e: {  	[hbm4b:s26+s4] =	stream.strided.scatter [tilespmem:s24], [sflag:$0x4], $0x400, s17, s4, $0x38;
	[tilespmem:$0x10100] =	vst v63  }
0x30f: {  	s24 =	sadd.s32 $0x9100, s25;
	s26 =	sadd.s32 $0x100, s23  }
0x310: {  	[hbm4b:s26+s4] =	stream.strided.scatter [tilespmem:s24], [sflag:$0x4], $0x400, s17, s4, $0x38;
	[tilespmem:$0x10100] =	vst v63  }
.Ltmp7:
0x311: {  	s24 =	sadd.s32 $0x9500, s25;
	s26 =	sadd.s32 $0x140, s23;
	(pc) =	sbr.rel @p0 .LBB2_16-.Ltmp7, $4  }
0x312: {  	[hbm4b:s26+s4] =	stream.strided.scatter [tilespmem:s24], [sflag:$0x4], $0x400, s17, s4, $0x38;
	[tilespmem:$0x10100] =	vst v63  }
0x313: {  	s24 =	sadd.s32 $0x9900, s25;
	s26 =	sadd.s32 $0x180, s23;
	s25 =	sadd.s32 $0x9D00, s25  }
0x314: {  	[hbm4b:s26+s4] =	stream.strided.scatter [tilespmem:s24], [sflag:$0x4], $0x400, s17, s4, $0x38;
	[tilespmem:$0x10100] =	vst v63  }
0x315: {  	s26 =	sadd.s32 $0x1C0, s23;
	s23 =	sadd.s32 $0x400, s23;
	s24 =	smov.u32 s28  }
0x316: {  	[hbm4b:s26+s4] =	stream.strided.scatter [tilespmem:s25], [sflag:$0x4], $0x400, s17, s4, $0x38;
	[tilespmem:$0x10100] =	vst v63  }
0x317: {  	s24 =	sadd.s32 $0x8100, s22  }
0x318: {  	[hbm4b:s23+s4] =	stream.strided.scatter [tilespmem:s24], [sflag:$0x4], $0x400, s17, s4, $0x38;
	[tilespmem:$0x10100] =	vst v63  }
0x319: {  	s26 =	sadd.s32 $0x8500, s22;
	s28 =	sadd.s32 $0x40, s23  }
0x31a: {  	[hbm4b:s28+s4] =	stream.strided.scatter [tilespmem:s26], [sflag:$0x4], $0x400, s17, s4, $0x38;
	[tilespmem:$0x10100] =	vst v63  }
0x31b: {  	s26 =	sadd.s32 $0x8900, s22;
	s28 =	sadd.s32 $0x80, s23  }
0x31c: {  	[hbm4b:s28+s4] =	stream.strided.scatter [tilespmem:s26], [sflag:$0x4], $0x400, s17, s4, $0x38;
	[tilespmem:$0x10100] =	vst v63  }
0x31d: {  	s26 =	sadd.s32 $0x8D00, s22;
	s28 =	sadd.s32 $0xC0, s23  }
0x31e: {  	[hbm4b:s28+s4] =	stream.strided.scatter [tilespmem:s26], [sflag:$0x4], $0x400, s17, s4, $0x38;
	[tilespmem:$0x10100] =	vst v63  }
0x31f: {  	s26 =	sadd.s32 $0x9100, s22;
	s28 =	sadd.s32 $0x100, s23  }
0x320: {  	[hbm4b:s28+s4] =	stream.strided.scatter [tilespmem:s26], [sflag:$0x4], $0x400, s17, s4, $0x38;
	[tilespmem:$0x10100] =	vst v63  }
0x321: {  	s26 =	sadd.s32 $0x9500, s22;
	s28 =	sadd.s32 $0x140, s23  }
0x322: {  	[hbm4b:s28+s4] =	stream.strided.scatter [tilespmem:s26], [sflag:$0x4], $0x400, s17, s4, $0x38;
	[tilespmem:$0x10100] =	vst v63  }
0x323: {  	s26 =	sadd.s32 $0x9900, s22;
	s28 =	sadd.s32 $0x180, s23  }
0x324: {  	[hbm4b:s28+s4] =	stream.strided.scatter [tilespmem:s26], [sflag:$0x4], $0x400, s17, s4, $0x38;
	[tilespmem:$0x10100] =	vst v63  }
0x325: {  	s25 =	sadd.s32 $0x9D00, s22;
	s26 =	sadd.s32 $0x1C0, s23  }
0x326: {  	[hbm4b:s26+s4] =	stream.strided.scatter [tilespmem:s25], [sflag:$0x4], $0x400, s17, s4, $0x38;
	[tilespmem:$0x10100] =	vst v63  }
0x327: {  	_ =	swait.ge [sflag:s19], $0x8000  }
0x328: {  	[sflag:s19] =	ssyncset.done $0x0  }
0x329: {  	[sflag:s19] =	ssyncadd.s32 $0xFFFF8000  }
0x32a: {  	_ =	swait.ge [sflag:s20], $0x8000  }
0x32b: {  	s21 =	sadd.s32 $0x1, s21;
	s28 =	rddreg [dreg:$0x5]  }
0x32c: {  	p0 =	sne.s32 s21, s28  }
.Ltmp8:
0x32d: {  	_ = 	snop;
	(pc) =	sbr.rel @p0 .LBB2_1-.Ltmp8, $3  }
0x32e: {  	_ =	sdelay $0x1  }
0x32f: {  	[sflag:s20] =	ssyncset.done $0x0  }
0x330: {  	[sflag:s20] =	ssyncadd.s32 $0xFFFF8000  }
0x331: {  	_ =	sfence.sel $0x180000  }
0x332: {  	[bflag:$0x0] =	sbarrier.arrive $0xFFFF  }
0x333: {  	_ =	strace $0x90000047  }
0x334: {  	s0 =	stileid.u32;
	[bflag:$0x2] =	sbarrier.arrive $0xFFFF  }
0x335: {  	p0 =	sne.s32 s0, $0x0;
	s0 =	rddreg [dreg:$0x3]  }
0x336: {  	s0 =	sadd.s32 @!p0 $0x100000, s0  }
0x337: {  	[sflag:s0] =	ssyncadd.tile.s32 @!p0 $0x1;
	_ =	shalt  }
.Lfunc_end2:
_tile_overlayer_lowered:
.L_overlay_start_2:
0x338: {  	(tag) =	ssettag $0x2  }
0x339: {  	s0 =	rddreg [dreg:$0x0];
	s2 =	stileid.u32  }
0x33a: {  	s1 =	rddreg [dreg:$0x1];
	p0 =	sne.s32 s2, $0x0  }
0x33b: {  	s3 =	rddreg [dreg:$0x2];
	[bflag:$0x3] =	sbarrier.arrive $0xFFFF;
	s2 =	simm.s32 @!p0 $0x1C05  }
0x33c: {  	[timem:s3], [sflag:s2] =	dma.local @!p0 [hbm:s0], s1  }
0x33d: {  	s0 =	simm.s32 @!p0 $0x5  }
0x33e: {  	_ =	swait.ge @!p0 [sflag:s0], s1  }
0x33f: {  	s1 =	ssub.s32 @!p0 $0x0, s1;
	[sflag:s0] =	ssyncset.done @!p0 $0x0  }
0x340: {  	[sflag:s0] =	ssyncadd.s32 @!p0 s1  }
0x341: {  	[bflag:$0x3] =	sbarrier.arrive $0xFFFF  }
0x342: {  	_ =	shalt  }

</sc_bundles>
